<compile_context>
chip_gen: v7x
topology: tpu7x:2x2x1
jax: 0.10.2.dev20260603
libtpu: 0.0.44.dev20260713+nightly
codegen_flags: <defaults>
</compile_context>

<pallas_src>
import functools

import jax
import jax.numpy as jnp
from jax import lax
from jax.experimental import pallas as pl
from jax.experimental.pallas import tpu as pltpu
from jax.experimental.pallas import tpu_sc as plsc

_CHUNK = 128


def _sc_gather_pairs(uidx2, midx2, utab2, mtab2):
    B = uidx2.shape[0]
    D2 = utab2.shape[1]
    info = plsc.get_sparse_core_info()
    nc, ns = info.num_cores, info.num_subcores
    nw = nc * ns
    b_per_w = B // nw
    n_ch = b_per_w // _CHUNK

    mesh = plsc.VectorSubcoreMesh(core_axis_name="c", subcore_axis_name="s")

    @functools.partial(
        pl.kernel,
        mesh=mesh,
        out_type=(
            jax.ShapeDtypeStruct((B, D2), jnp.float32),
            jax.ShapeDtypeStruct((B, D2), jnp.float32),
        ),
        scratch_types=[
            pltpu.VMEM((n_ch, _CHUNK), jnp.int32),
            pltpu.VMEM((n_ch, _CHUNK), jnp.int32),
            pltpu.VMEM((b_per_w, D2), jnp.float32),
            pltpu.SemaphoreType.DMA,
        ],
    )
    def gather_kernel(uidx_hbm, midx_hbm, utab_hbm, mtab_hbm,
                      uout_hbm, mout_hbm,
                      uidx_v, midx_v, rows_v, sem):
        wid = lax.axis_index("s") * nc + lax.axis_index("c")
        base = wid * b_per_w
        for j in range(n_ch):
            pltpu.sync_copy(uidx_hbm.at[pl.ds(base + j * _CHUNK, _CHUNK)],
                            uidx_v.at[j])
            pltpu.sync_copy(midx_hbm.at[pl.ds(base + j * _CHUNK, _CHUNK)],
                            midx_v.at[j])
        copies = []
        for j in range(n_ch):
            copies.append(pltpu.async_copy(
                utab_hbm.at[uidx_v.at[j]],
                rows_v.at[pl.ds(j * _CHUNK, _CHUNK)], sem))
        for c in copies:
            c.wait()
        pltpu.sync_copy(rows_v, uout_hbm.at[pl.ds(base, b_per_w)])
        copies = []
        for j in range(n_ch):
            copies.append(pltpu.async_copy(
                mtab_hbm.at[midx_v.at[j]],
                rows_v.at[pl.ds(j * _CHUNK, _CHUNK)], sem))
        for c in copies:
            c.wait()
        pltpu.sync_copy(rows_v, mout_hbm.at[pl.ds(base, b_per_w)])

    return gather_kernel(uidx2, midx2, utab2, mtab2)


def _mlp_body(u2_ref, m2_ref, pu_ref, pm_ref, w1u_ref, w1m_ref, b1_ref,
              w2_ref, b2_ref, out_ref):
    D = w1u_ref.shape[0] // 2
    col = lax.broadcasted_iota(jnp.int32, u2_ref.shape, 1)
    lo = (col < D).astype(jnp.float32)
    hi = 1.0 - lo
    pu = pu_ref[...].astype(jnp.float32)
    pm = pm_ref[...].astype(jnp.float32)
    mask_u = lo * (1.0 - pu) + hi * pu
    mask_m = lo * (1.0 - pm) + hi * pm
    h = jnp.dot(u2_ref[...] * mask_u, w1u_ref[...],
                preferred_element_type=jnp.float32)
    h = h + jnp.dot(m2_ref[...] * mask_m, w1m_ref[...],
                    preferred_element_type=jnp.float32)
    h = jnp.maximum(h + b1_ref[...], 0.0)
    out_ref[...] = (
        jnp.dot(h, w2_ref[...], preferred_element_type=jnp.float32)
        + b2_ref[...])


def _tc_mlp(u2, m2, pu, pm, W1, b1, W2, b2, block_b=2048):
    B, D2 = u2.shape
    D = D2 // 2
    H = W1.shape[1]
    W1u2 = jnp.concatenate([W1[:D], W1[:D]], axis=0)
    W1m2 = jnp.concatenate([W1[D:], W1[D:]], axis=0)
    b1r = b1.reshape(1, H)
    b2r = b2.reshape(1, 1)
    grid = (B // block_b,)
    return pl.pallas_call(
        _mlp_body,
        grid=grid,
        in_specs=[
            pl.BlockSpec((block_b, D2), lambda i: (i, 0)),
            pl.BlockSpec((block_b, D2), lambda i: (i, 0)),
            pl.BlockSpec((block_b, 1), lambda i: (i, 0)),
            pl.BlockSpec((block_b, 1), lambda i: (i, 0)),
            pl.BlockSpec((D2, H), lambda i: (0, 0)),
            pl.BlockSpec((D2, H), lambda i: (0, 0)),
            pl.BlockSpec((1, H), lambda i: (0, 0)),
            pl.BlockSpec((H, 1), lambda i: (0, 0)),
            pl.BlockSpec((1, 1), lambda i: (0, 0)),
        ],
        out_specs=pl.BlockSpec((block_b, 1), lambda i: (i, 0)),
        out_shape=jax.ShapeDtypeStruct((B, 1), jnp.float32),
    )(u2, m2, pu, pm, W1u2, W1m2, b1r, W2, b2r)


def kernel(users, movies, user_table, movie_table, W1, b1, W2, b2):
    users = users.astype(jnp.int32)
    movies = movies.astype(jnp.int32)
    V, D = user_table.shape
    utab2 = user_table.reshape(V // 2, 2 * D)
    mtab2 = movie_table.reshape(V // 2, 2 * D)
    pu = (users & 1).reshape(-1, 1)
    pm = (movies & 1).reshape(-1, 1)
    u2, m2 = _sc_gather_pairs(users >> 1, movies >> 1, utab2, mtab2)
    return _tc_mlp(u2, m2, pu, pm, W1, b1, W2, b2)

# --- scband reference (transcript-rebuilt; emitter-appended) ---
"""Pipeline reference for scband-mlpmodel-74543452389913 (READ-ONLY COPY).

The authoritative reference and input builder live on the scoring server;
editing this copy changes nothing except your own understanding.
"""

import jax, jax.numpy as jnp
import numpy as np

NUM_USERS = 1000000
NUM_MOVIES = 1000000
EMB = 64
HID = 256
BATCH = 16384

def setup_inputs(seed: int = 0) -> dict:
    key = jax.random.key(seed)
    k1, k2, k3, k4, k5, k6, k7, k8 = jax.random.split(key, 8)
    users = jax.random.randint(k1, (BATCH,), 0, NUM_USERS, dtype=jnp.int64 if jax.config.jax_enable_x64 else jnp.int32)
    movies = jax.random.randint(k2, (BATCH,), 0, NUM_MOVIES, dtype=jnp.int64 if jax.config.jax_enable_x64 else jnp.int32)
    user_table = jax.random.normal(k3, (NUM_USERS, EMB), dtype=jnp.float32)
    movie_table = jax.random.normal(k4, (NUM_MOVIES, EMB), dtype=jnp.float32)
    lim1 = 1.0 / np.sqrt(2 * EMB)
    W1 = jax.random.uniform(k5, (2 * EMB, HID), minval=-lim1, maxval=lim1, dtype=jnp.float32)
    b1 = jax.random.uniform(k6, (HID,), minval=-lim1, maxval=lim1, dtype=jnp.float32)
    lim2 = 1.0 / np.sqrt(HID)
    W2 = jax.random.uniform(k7, (HID, 1), minval=-lim2, maxval=lim2, dtype=jnp.float32)
    b2 = jax.random.uniform(k8, (1,), minval=-lim2, maxval=lim2, dtype=jnp.float32)
    return {"users": users, "movies": movies, "user_table": user_table, "movie_table": movie_table, "W1": W1, "b1": b1, "W2": W2, "b2": b2}

def reference(users, movies, user_table, movie_table, W1, b1, W2, b2):
    user_embed = jnp.take(user_table, users, axis=0)
    movie_embed = jnp.take(movie_table, movies, axis=0)
    concat_embed = jnp.concatenate([user_embed, movie_embed], axis=1)
    h = jax.nn.relu(concat_embed @ W1 + b1)
    # dropout is identity in eval/inference mode
    res = h @ W2 + b2
    return res

if __name__ == "__main__":
    import jax
    _d = setup_inputs()
    print(jax.jit(kernel)(*tuple(_d.values())))

</pallas_src>

<mosaic_0001>
#map = affine_map<(d0, d1) -> (0)>
#map1 = affine_map<(d0, d1) -> (0, 0)>
module attributes {stable_mosaic.version = 14 : i64} {
  func.func @gather_kernel(%arg0: i32, %arg1: i32, %arg2: memref<16384xi32, #tpu.memory_space<hbm>>, %arg3: memref<16384xi32, #tpu.memory_space<hbm>>, %arg4: memref<500000x128xf32, #tpu.memory_space<hbm>>, %arg5: memref<500000x128xf32, #tpu.memory_space<hbm>>, %arg6: memref<16384x128xf32, #tpu.memory_space<hbm>>, %arg7: memref<16384x128xf32, #tpu.memory_space<hbm>>, %arg8: memref<4x128xi32, #tpu.memory_space<vmem>>, %arg9: memref<4x128xi32, #tpu.memory_space<vmem>>, %arg10: memref<512x128xf32, #tpu.memory_space<vmem>>, %arg11: memref<!tpu.dma_semaphore, #tpu.memory_space<semaphore_mem>>) attributes {dimension_semantics = [#tpu.dimension_semantics<core_parallel>, #tpu.dimension_semantics<subcore_parallel>], iteration_bounds = array<i64: 2, 16>, scalar_prefetch = 0 : i64, scratch_operands = 4 : i64, tpu.core_type = #tpu.core_type<sc_vector_subcore>, window_params = [{transform_indices = #map}, {transform_indices = #map}, {transform_indices = #map1}, {transform_indices = #map1}, {transform_indices = #map1}, {transform_indices = #map1}]} {
    %mul3A = arith.constant 2 : i32
    %mul3A_0 = arith.muli %arg1, %mul3A : i32
    %add3A = arith.addi %mul3A_0, %arg0 : i32
    %mul3A_1 = arith.constant 512 : i32
    %mul3A_2 = arith.muli %add3A, %mul3A_1 : i32
    %add3A_3 = arith.constant 0 : i32
    %add3A_4 = arith.addi %mul3A_2, %add3A_3 : i32
    %run_scoped3A = arith.constant 0 : i32
    "tpu.region"() ({
      %run_scoped3A_184 = tpu.sem_alloc : memref<!tpu.dma_semaphore, #tpu.memory_space<semaphore_mem>>
      %dma_start3A_185 = arith.constant 0 : i32
      %dma_start3A_186 = tpu.memref_slice %arg8[%run_scoped3A, %dma_start3A_185] : memref<4x128xi32, #tpu.memory_space<vmem>> -> memref<1x128xi32, #tpu.memory_space<vmem>>
      %dma_start3A_187 = tpu.memref_squeeze %dma_start3A_186 : memref<1x128xi32, #tpu.memory_space<vmem>> -> memref<128xi32, #tpu.memory_space<vmem>>
      %dma_start3A_188 = tpu.memref_slice %arg2[%add3A_4] : memref<16384xi32, #tpu.memory_space<hbm>> -> memref<128xi32, #tpu.memory_space<hbm>>
      %dma_start3A_189 = arith.constant 0 : i32
      %dma_start3A_190 = tpu.memref_slice %arg8[%run_scoped3A, %dma_start3A_189] : memref<4x128xi32, #tpu.memory_space<vmem>> -> memref<1x128xi32, #tpu.memory_space<vmem>>
      %dma_start3A_191 = tpu.memref_squeeze %dma_start3A_190 : memref<1x128xi32, #tpu.memory_space<vmem>> -> memref<128xi32, #tpu.memory_space<vmem>>
      %dma_start3A_192 = tpu.memref_slice %arg2[%add3A_4] : memref<16384xi32, #tpu.memory_space<hbm>> -> memref<128xi32, #tpu.memory_space<hbm>>
      tpu.enqueue_dma source(%dma_start3A_192 : memref<128xi32, #tpu.memory_space<hbm>>) target(%dma_start3A_191 : memref<128xi32, #tpu.memory_space<vmem>>) target_semaphore(%run_scoped3A_184 : memref<!tpu.dma_semaphore, #tpu.memory_space<semaphore_mem>>)
      %dma_wait3A_193 = arith.constant 0 : i32
      %dma_wait3A_194 = tpu.memref_slice %arg8[%run_scoped3A, %dma_wait3A_193] : memref<4x128xi32, #tpu.memory_space<vmem>> -> memref<1x128xi32, #tpu.memory_space<vmem>>
      %dma_wait3A_195 = tpu.memref_squeeze %dma_wait3A_194 : memref<1x128xi32, #tpu.memory_space<vmem>> -> memref<128xi32, #tpu.memory_space<vmem>>
      %dma_wait3A_196 = tpu.memref_slice %arg2[%add3A_4] : memref<16384xi32, #tpu.memory_space<hbm>> -> memref<128xi32, #tpu.memory_space<hbm>>
      %dma_wait3A_197 = arith.constant 0 : i32
      %dma_wait3A_198 = tpu.memref_slice %arg8[%run_scoped3A, %dma_wait3A_197] : memref<4x128xi32, #tpu.memory_space<vmem>> -> memref<1x128xi32, #tpu.memory_space<vmem>>
      %dma_wait3A_199 = tpu.memref_squeeze %dma_wait3A_198 : memref<1x128xi32, #tpu.memory_space<vmem>> -> memref<128xi32, #tpu.memory_space<vmem>>
      %dma_wait3A_200 = tpu.memref_slice %arg2[%add3A_4] : memref<16384xi32, #tpu.memory_space<hbm>> -> memref<128xi32, #tpu.memory_space<hbm>>
      tpu.wait_dma2 semaphore(%run_scoped3A_184 : memref<!tpu.dma_semaphore, #tpu.memory_space<semaphore_mem>>) src(%dma_wait3A_200 : memref<128xi32, #tpu.memory_space<hbm>>) dst(%dma_wait3A_199 : memref<128xi32, #tpu.memory_space<vmem>>)
      tpu.yield
    }) : () -> ()
    %add3A_5 = arith.constant 0 : i32
    %add3A_6 = arith.addi %mul3A_2, %add3A_5 : i32
    %run_scoped3A_7 = arith.constant 0 : i32
    "tpu.region"() ({
      %run_scoped3A_184 = tpu.sem_alloc : memref<!tpu.dma_semaphore, #tpu.memory_space<semaphore_mem>>
      %dma_start3A_185 = arith.constant 0 : i32
      %dma_start3A_186 = tpu.memref_slice %arg9[%run_scoped3A_7, %dma_start3A_185] : memref<4x128xi32, #tpu.memory_space<vmem>> -> memref<1x128xi32, #tpu.memory_space<vmem>>
      %dma_start3A_187 = tpu.memref_squeeze %dma_start3A_186 : memref<1x128xi32, #tpu.memory_space<vmem>> -> memref<128xi32, #tpu.memory_space<vmem>>
      %dma_start3A_188 = tpu.memref_slice %arg3[%add3A_6] : memref<16384xi32, #tpu.memory_space<hbm>> -> memref<128xi32, #tpu.memory_space<hbm>>
      %dma_start3A_189 = arith.constant 0 : i32
      %dma_start3A_190 = tpu.memref_slice %arg9[%run_scoped3A_7, %dma_start3A_189] : memref<4x128xi32, #tpu.memory_space<vmem>> -> memref<1x128xi32, #tpu.memory_space<vmem>>
      %dma_start3A_191 = tpu.memref_squeeze %dma_start3A_190 : memref<1x128xi32, #tpu.memory_space<vmem>> -> memref<128xi32, #tpu.memory_space<vmem>>
      %dma_start3A_192 = tpu.memref_slice %arg3[%add3A_6] : memref<16384xi32, #tpu.memory_space<hbm>> -> memref<128xi32, #tpu.memory_space<hbm>>
      tpu.enqueue_dma source(%dma_start3A_192 : memref<128xi32, #tpu.memory_space<hbm>>) target(%dma_start3A_191 : memref<128xi32, #tpu.memory_space<vmem>>) target_semaphore(%run_scoped3A_184 : memref<!tpu.dma_semaphore, #tpu.memory_space<semaphore_mem>>)
      %dma_wait3A_193 = arith.constant 0 : i32
      %dma_wait3A_194 = tpu.memref_slice %arg9[%run_scoped3A_7, %dma_wait3A_193] : memref<4x128xi32, #tpu.memory_space<vmem>> -> memref<1x128xi32, #tpu.memory_space<vmem>>
      %dma_wait3A_195 = tpu.memref_squeeze %dma_wait3A_194 : memref<1x128xi32, #tpu.memory_space<vmem>> -> memref<128xi32, #tpu.memory_space<vmem>>
      %dma_wait3A_196 = tpu.memref_slice %arg3[%add3A_6] : memref<16384xi32, #tpu.memory_space<hbm>> -> memref<128xi32, #tpu.memory_space<hbm>>
      %dma_wait3A_197 = arith.constant 0 : i32
      %dma_wait3A_198 = tpu.memref_slice %arg9[%run_scoped3A_7, %dma_wait3A_197] : memref<4x128xi32, #tpu.memory_space<vmem>> -> memref<1x128xi32, #tpu.memory_space<vmem>>
      %dma_wait3A_199 = tpu.memref_squeeze %dma_wait3A_198 : memref<1x128xi32, #tpu.memory_space<vmem>> -> memref<128xi32, #tpu.memory_space<vmem>>
      %dma_wait3A_200 = tpu.memref_slice %arg3[%add3A_6] : memref<16384xi32, #tpu.memory_space<hbm>> -> memref<128xi32, #tpu.memory_space<hbm>>
      tpu.wait_dma2 semaphore(%run_scoped3A_184 : memref<!tpu.dma_semaphore, #tpu.memory_space<semaphore_mem>>) src(%dma_wait3A_200 : memref<128xi32, #tpu.memory_space<hbm>>) dst(%dma_wait3A_199 : memref<128xi32, #tpu.memory_space<vmem>>)
      tpu.yield
    }) : () -> ()
    %add3A_8 = arith.constant 128 : i32
    %add3A_9 = arith.addi %mul3A_2, %add3A_8 : i32
    %run_scoped3A_10 = arith.constant 1 : i32
    "tpu.region"() ({
      %run_scoped3A_184 = tpu.sem_alloc : memref<!tpu.dma_semaphore, #tpu.memory_space<semaphore_mem>>
      %dma_start3A_185 = arith.constant 0 : i32
      %dma_start3A_186 = tpu.memref_slice %arg8[%run_scoped3A_10, %dma_start3A_185] : memref<4x128xi32, #tpu.memory_space<vmem>> -> memref<1x128xi32, #tpu.memory_space<vmem>>
      %dma_start3A_187 = tpu.memref_squeeze %dma_start3A_186 : memref<1x128xi32, #tpu.memory_space<vmem>> -> memref<128xi32, #tpu.memory_space<vmem>>
      %dma_start3A_188 = tpu.memref_slice %arg2[%add3A_9] : memref<16384xi32, #tpu.memory_space<hbm>> -> memref<128xi32, #tpu.memory_space<hbm>>
      %dma_start3A_189 = arith.constant 0 : i32
      %dma_start3A_190 = tpu.memref_slice %arg8[%run_scoped3A_10, %dma_start3A_189] : memref<4x128xi32, #tpu.memory_space<vmem>> -> memref<1x128xi32, #tpu.memory_space<vmem>>
      %dma_start3A_191 = tpu.memref_squeeze %dma_start3A_190 : memref<1x128xi32, #tpu.memory_space<vmem>> -> memref<128xi32, #tpu.memory_space<vmem>>
      %dma_start3A_192 = tpu.memref_slice %arg2[%add3A_9] : memref<16384xi32, #tpu.memory_space<hbm>> -> memref<128xi32, #tpu.memory_space<hbm>>
      tpu.enqueue_dma source(%dma_start3A_192 : memref<128xi32, #tpu.memory_space<hbm>>) target(%dma_start3A_191 : memref<128xi32, #tpu.memory_space<vmem>>) target_semaphore(%run_scoped3A_184 : memref<!tpu.dma_semaphore, #tpu.memory_space<semaphore_mem>>)
      %dma_wait3A_193 = arith.constant 0 : i32
      %dma_wait3A_194 = tpu.memref_slice %arg8[%run_scoped3A_10, %dma_wait3A_193] : memref<4x128xi32, #tpu.memory_space<vmem>> -> memref<1x128xi32, #tpu.memory_space<vmem>>
      %dma_wait3A_195 = tpu.memref_squeeze %dma_wait3A_194 : memref<1x128xi32, #tpu.memory_space<vmem>> -> memref<128xi32, #tpu.memory_space<vmem>>
      %dma_wait3A_196 = tpu.memref_slice %arg2[%add3A_9] : memref<16384xi32, #tpu.memory_space<hbm>> -> memref<128xi32, #tpu.memory_space<hbm>>
      %dma_wait3A_197 = arith.constant 0 : i32
      %dma_wait3A_198 = tpu.memref_slice %arg8[%run_scoped3A_10, %dma_wait3A_197] : memref<4x128xi32, #tpu.memory_space<vmem>> -> memref<1x128xi32, #tpu.memory_space<vmem>>
      %dma_wait3A_199 = tpu.memref_squeeze %dma_wait3A_198 : memref<1x128xi32, #tpu.memory_space<vmem>> -> memref<128xi32, #tpu.memory_space<vmem>>
      %dma_wait3A_200 = tpu.memref_slice %arg2[%add3A_9] : memref<16384xi32, #tpu.memory_space<hbm>> -> memref<128xi32, #tpu.memory_space<hbm>>
      tpu.wait_dma2 semaphore(%run_scoped3A_184 : memref<!tpu.dma_semaphore, #tpu.memory_space<semaphore_mem>>) src(%dma_wait3A_200 : memref<128xi32, #tpu.memory_space<hbm>>) dst(%dma_wait3A_199 : memref<128xi32, #tpu.memory_space<vmem>>)
      tpu.yield
    }) : () -> ()
    %add3A_11 = arith.constant 128 : i32
    %add3A_12 = arith.addi %mul3A_2, %add3A_11 : i32
    %run_scoped3A_13 = arith.constant 1 : i32
    "tpu.region"() ({
      %run_scoped3A_184 = tpu.sem_alloc : memref<!tpu.dma_semaphore, #tpu.memory_space<semaphore_mem>>
      %dma_start3A_185 = arith.constant 0 : i32
      %dma_start3A_186 = tpu.memref_slice %arg9[%run_scoped3A_13, %dma_start3A_185] : memref<4x128xi32, #tpu.memory_space<vmem>> -> memref<1x128xi32, #tpu.memory_space<vmem>>
      %dma_start3A_187 = tpu.memref_squeeze %dma_start3A_186 : memref<1x128xi32, #tpu.memory_space<vmem>> -> memref<128xi32, #tpu.memory_space<vmem>>
      %dma_start3A_188 = tpu.memref_slice %arg3[%add3A_12] : memref<16384xi32, #tpu.memory_space<hbm>> -> memref<128xi32, #tpu.memory_space<hbm>>
      %dma_start3A_189 = arith.constant 0 : i32
      %dma_start3A_190 = tpu.memref_slice %arg9[%run_scoped3A_13, %dma_start3A_189] : memref<4x128xi32, #tpu.memory_space<vmem>> -> memref<1x128xi32, #tpu.memory_space<vmem>>
      %dma_start3A_191 = tpu.memref_squeeze %dma_start3A_190 : memref<1x128xi32, #tpu.memory_space<vmem>> -> memref<128xi32, #tpu.memory_space<vmem>>
      %dma_start3A_192 = tpu.memref_slice %arg3[%add3A_12] : memref<16384xi32, #tpu.memory_space<hbm>> -> memref<128xi32, #tpu.memory_space<hbm>>
      tpu.enqueue_dma source(%dma_start3A_192 : memref<128xi32, #tpu.memory_space<hbm>>) target(%dma_start3A_191 : memref<128xi32, #tpu.memory_space<vmem>>) target_semaphore(%run_scoped3A_184 : memref<!tpu.dma_semaphore, #tpu.memory_space<semaphore_mem>>)
      %dma_wait3A_193 = arith.constant 0 : i32
      %dma_wait3A_194 = tpu.memref_slice %arg9[%run_scoped3A_13, %dma_wait3A_193] : memref<4x128xi32, #tpu.memory_space<vmem>> -> memref<1x128xi32, #tpu.memory_space<vmem>>
      %dma_wait3A_195 = tpu.memref_squeeze %dma_wait3A_194 : memref<1x128xi32, #tpu.memory_space<vmem>> -> memref<128xi32, #tpu.memory_space<vmem>>
      %dma_wait3A_196 = tpu.memref_slice %arg3[%add3A_12] : memref<16384xi32, #tpu.memory_space<hbm>> -> memref<128xi32, #tpu.memory_space<hbm>>
      %dma_wait3A_197 = arith.constant 0 : i32
      %dma_wait3A_198 = tpu.memref_slice %arg9[%run_scoped3A_13, %dma_wait3A_197] : memref<4x128xi32, #tpu.memory_space<vmem>> -> memref<1x128xi32, #tpu.memory_space<vmem>>
      %dma_wait3A_199 = tpu.memref_squeeze %dma_wait3A_198 : memref<1x128xi32, #tpu.memory_space<vmem>> -> memref<128xi32, #tpu.memory_space<vmem>>
      %dma_wait3A_200 = tpu.memref_slice %arg3[%add3A_12] : memref<16384xi32, #tpu.memory_space<hbm>> -> memref<128xi32, #tpu.memory_space<hbm>>
      tpu.wait_dma2 semaphore(%run_scoped3A_184 : memref<!tpu.dma_semaphore, #tpu.memory_space<semaphore_mem>>) src(%dma_wait3A_200 : memref<128xi32, #tpu.memory_space<hbm>>) dst(%dma_wait3A_199 : memref<128xi32, #tpu.memory_space<vmem>>)
      tpu.yield
    }) : () -> ()
    %add3A_14 = arith.constant 256 : i32
    %add3A_15 = arith.addi %mul3A_2, %add3A_14 : i32
    %run_scoped3A_16 = arith.constant 2 : i32
    "tpu.region"() ({
      %run_scoped3A_184 = tpu.sem_alloc : memref<!tpu.dma_semaphore, #tpu.memory_space<semaphore_mem>>
      %dma_start3A_185 = arith.constant 0 : i32
      %dma_start3A_186 = tpu.memref_slice %arg8[%run_scoped3A_16, %dma_start3A_185] : memref<4x128xi32, #tpu.memory_space<vmem>> -> memref<1x128xi32, #tpu.memory_space<vmem>>
      %dma_start3A_187 = tpu.memref_squeeze %dma_start3A_186 : memref<1x128xi32, #tpu.memory_space<vmem>> -> memref<128xi32, #tpu.memory_space<vmem>>
      %dma_start3A_188 = tpu.memref_slice %arg2[%add3A_15] : memref<16384xi32, #tpu.memory_space<hbm>> -> memref<128xi32, #tpu.memory_space<hbm>>
      %dma_start3A_189 = arith.constant 0 : i32
      %dma_start3A_190 = tpu.memref_slice %arg8[%run_scoped3A_16, %dma_start3A_189] : memref<4x128xi32, #tpu.memory_space<vmem>> -> memref<1x128xi32, #tpu.memory_space<vmem>>
      %dma_start3A_191 = tpu.memref_squeeze %dma_start3A_190 : memref<1x128xi32, #tpu.memory_space<vmem>> -> memref<128xi32, #tpu.memory_space<vmem>>
      %dma_start3A_192 = tpu.memref_slice %arg2[%add3A_15] : memref<16384xi32, #tpu.memory_space<hbm>> -> memref<128xi32, #tpu.memory_space<hbm>>
      tpu.enqueue_dma source(%dma_start3A_192 : memref<128xi32, #tpu.memory_space<hbm>>) target(%dma_start3A_191 : memref<128xi32, #tpu.memory_space<vmem>>) target_semaphore(%run_scoped3A_184 : memref<!tpu.dma_semaphore, #tpu.memory_space<semaphore_mem>>)
      %dma_wait3A_193 = arith.constant 0 : i32
      %dma_wait3A_194 = tpu.memref_slice %arg8[%run_scoped3A_16, %dma_wait3A_193] : memref<4x128xi32, #tpu.memory_space<vmem>> -> memref<1x128xi32, #tpu.memory_space<vmem>>
      %dma_wait3A_195 = tpu.memref_squeeze %dma_wait3A_194 : memref<1x128xi32, #tpu.memory_space<vmem>> -> memref<128xi32, #tpu.memory_space<vmem>>
      %dma_wait3A_196 = tpu.memref_slice %arg2[%add3A_15] : memref<16384xi32, #tpu.memory_space<hbm>> -> memref<128xi32, #tpu.memory_space<hbm>>
      %dma_wait3A_197 = arith.constant 0 : i32
      %dma_wait3A_198 = tpu.memref_slice %arg8[%run_scoped3A_16, %dma_wait3A_197] : memref<4x128xi32, #tpu.memory_space<vmem>> -> memref<1x128xi32, #tpu.memory_space<vmem>>
      %dma_wait3A_199 = tpu.memref_squeeze %dma_wait3A_198 : memref<1x128xi32, #tpu.memory_space<vmem>> -> memref<128xi32, #tpu.memory_space<vmem>>
      %dma_wait3A_200 = tpu.memref_slice %arg2[%add3A_15] : memref<16384xi32, #tpu.memory_space<hbm>> -> memref<128xi32, #tpu.memory_space<hbm>>
      tpu.wait_dma2 semaphore(%run_scoped3A_184 : memref<!tpu.dma_semaphore, #tpu.memory_space<semaphore_mem>>) src(%dma_wait3A_200 : memref<128xi32, #tpu.memory_space<hbm>>) dst(%dma_wait3A_199 : memref<128xi32, #tpu.memory_space<vmem>>)
      tpu.yield
    }) : () -> ()
    %add3A_17 = arith.constant 256 : i32
    %add3A_18 = arith.addi %mul3A_2, %add3A_17 : i32
    %run_scoped3A_19 = arith.constant 2 : i32
    "tpu.region"() ({
      %run_scoped3A_184 = tpu.sem_alloc : memref<!tpu.dma_semaphore, #tpu.memory_space<semaphore_mem>>
      %dma_start3A_185 = arith.constant 0 : i32
      %dma_start3A_186 = tpu.memref_slice %arg9[%run_scoped3A_19, %dma_start3A_185] : memref<4x128xi32, #tpu.memory_space<vmem>> -> memref<1x128xi32, #tpu.memory_space<vmem>>
      %dma_start3A_187 = tpu.memref_squeeze %dma_start3A_186 : memref<1x128xi32, #tpu.memory_space<vmem>> -> memref<128xi32, #tpu.memory_space<vmem>>
      %dma_start3A_188 = tpu.memref_slice %arg3[%add3A_18] : memref<16384xi32, #tpu.memory_space<hbm>> -> memref<128xi32, #tpu.memory_space<hbm>>
      %dma_start3A_189 = arith.constant 0 : i32
      %dma_start3A_190 = tpu.memref_slice %arg9[%run_scoped3A_19, %dma_start3A_189] : memref<4x128xi32, #tpu.memory_space<vmem>> -> memref<1x128xi32, #tpu.memory_space<vmem>>
      %dma_start3A_191 = tpu.memref_squeeze %dma_start3A_190 : memref<1x128xi32, #tpu.memory_space<vmem>> -> memref<128xi32, #tpu.memory_space<vmem>>
      %dma_start3A_192 = tpu.memref_slice %arg3[%add3A_18] : memref<16384xi32, #tpu.memory_space<hbm>> -> memref<128xi32, #tpu.memory_space<hbm>>
      tpu.enqueue_dma source(%dma_start3A_192 : memref<128xi32, #tpu.memory_space<hbm>>) target(%dma_start3A_191 : memref<128xi32, #tpu.memory_space<vmem>>) target_semaphore(%run_scoped3A_184 : memref<!tpu.dma_semaphore, #tpu.memory_space<semaphore_mem>>)
      %dma_wait3A_193 = arith.constant 0 : i32
      %dma_wait3A_194 = tpu.memref_slice %arg9[%run_scoped3A_19, %dma_wait3A_193] : memref<4x128xi32, #tpu.memory_space<vmem>> -> memref<1x128xi32, #tpu.memory_space<vmem>>
      %dma_wait3A_195 = tpu.memref_squeeze %dma_wait3A_194 : memref<1x128xi32, #tpu.memory_space<vmem>> -> memref<128xi32, #tpu.memory_space<vmem>>
      %dma_wait3A_196 = tpu.memref_slice %arg3[%add3A_18] : memref<16384xi32, #tpu.memory_space<hbm>> -> memref<128xi32, #tpu.memory_space<hbm>>
      %dma_wait3A_197 = arith.constant 0 : i32
      %dma_wait3A_198 = tpu.memref_slice %arg9[%run_scoped3A_19, %dma_wait3A_197] : memref<4x128xi32, #tpu.memory_space<vmem>> -> memref<1x128xi32, #tpu.memory_space<vmem>>
      %dma_wait3A_199 = tpu.memref_squeeze %dma_wait3A_198 : memref<1x128xi32, #tpu.memory_space<vmem>> -> memref<128xi32, #tpu.memory_space<vmem>>
      %dma_wait3A_200 = tpu.memref_slice %arg3[%add3A_18] : memref<16384xi32, #tpu.memory_space<hbm>> -> memref<128xi32, #tpu.memory_space<hbm>>
      tpu.wait_dma2 semaphore(%run_scoped3A_184 : memref<!tpu.dma_semaphore, #tpu.memory_space<semaphore_mem>>) src(%dma_wait3A_200 : memref<128xi32, #tpu.memory_space<hbm>>) dst(%dma_wait3A_199 : memref<128xi32, #tpu.memory_space<vmem>>)
      tpu.yield
    }) : () -> ()
    %add3A_20 = arith.constant 384 : i32
    %add3A_21 = arith.addi %mul3A_2, %add3A_20 : i32
    %run_scoped3A_22 = arith.constant 3 : i32
    "tpu.region"() ({
      %run_scoped3A_184 = tpu.sem_alloc : memref<!tpu.dma_semaphore, #tpu.memory_space<semaphore_mem>>
      %dma_start3A_185 = arith.constant 0 : i32
      %dma_start3A_186 = tpu.memref_slice %arg8[%run_scoped3A_22, %dma_start3A_185] : memref<4x128xi32, #tpu.memory_space<vmem>> -> memref<1x128xi32, #tpu.memory_space<vmem>>
      %dma_start3A_187 = tpu.memref_squeeze %dma_start3A_186 : memref<1x128xi32, #tpu.memory_space<vmem>> -> memref<128xi32, #tpu.memory_space<vmem>>
      %dma_start3A_188 = tpu.memref_slice %arg2[%add3A_21] : memref<16384xi32, #tpu.memory_space<hbm>> -> memref<128xi32, #tpu.memory_space<hbm>>
      %dma_start3A_189 = arith.constant 0 : i32
      %dma_start3A_190 = tpu.memref_slice %arg8[%run_scoped3A_22, %dma_start3A_189] : memref<4x128xi32, #tpu.memory_space<vmem>> -> memref<1x128xi32, #tpu.memory_space<vmem>>
      %dma_start3A_191 = tpu.memref_squeeze %dma_start3A_190 : memref<1x128xi32, #tpu.memory_space<vmem>> -> memref<128xi32, #tpu.memory_space<vmem>>
      %dma_start3A_192 = tpu.memref_slice %arg2[%add3A_21] : memref<16384xi32, #tpu.memory_space<hbm>> -> memref<128xi32, #tpu.memory_space<hbm>>
      tpu.enqueue_dma source(%dma_start3A_192 : memref<128xi32, #tpu.memory_space<hbm>>) target(%dma_start3A_191 : memref<128xi32, #tpu.memory_space<vmem>>) target_semaphore(%run_scoped3A_184 : memref<!tpu.dma_semaphore, #tpu.memory_space<semaphore_mem>>)
      %dma_wait3A_193 = arith.constant 0 : i32
      %dma_wait3A_194 = tpu.memref_slice %arg8[%run_scoped3A_22, %dma_wait3A_193] : memref<4x128xi32, #tpu.memory_space<vmem>> -> memref<1x128xi32, #tpu.memory_space<vmem>>
      %dma_wait3A_195 = tpu.memref_squeeze %dma_wait3A_194 : memref<1x128xi32, #tpu.memory_space<vmem>> -> memref<128xi32, #tpu.memory_space<vmem>>
      %dma_wait3A_196 = tpu.memref_slice %arg2[%add3A_21] : memref<16384xi32, #tpu.memory_space<hbm>> -> memref<128xi32, #tpu.memory_space<hbm>>
      %dma_wait3A_197 = arith.constant 0 : i32
      %dma_wait3A_198 = tpu.memref_slice %arg8[%run_scoped3A_22, %dma_wait3A_197] : memref<4x128xi32, #tpu.memory_space<vmem>> -> memref<1x128xi32, #tpu.memory_space<vmem>>
      %dma_wait3A_199 = tpu.memref_squeeze %dma_wait3A_198 : memref<1x128xi32, #tpu.memory_space<vmem>> -> memref<128xi32, #tpu.memory_space<vmem>>
      %dma_wait3A_200 = tpu.memref_slice %arg2[%add3A_21] : memref<16384xi32, #tpu.memory_space<hbm>> -> memref<128xi32, #tpu.memory_space<hbm>>
      tpu.wait_dma2 semaphore(%run_scoped3A_184 : memref<!tpu.dma_semaphore, #tpu.memory_space<semaphore_mem>>) src(%dma_wait3A_200 : memref<128xi32, #tpu.memory_space<hbm>>) dst(%dma_wait3A_199 : memref<128xi32, #tpu.memory_space<vmem>>)
      tpu.yield
    }) : () -> ()
    %add3A_23 = arith.constant 384 : i32
    %add3A_24 = arith.addi %mul3A_2, %add3A_23 : i32
    %run_scoped3A_25 = arith.constant 3 : i32
    "tpu.region"() ({
      %run_scoped3A_184 = tpu.sem_alloc : memref<!tpu.dma_semaphore, #tpu.memory_space<semaphore_mem>>
      %dma_start3A_185 = arith.constant 0 : i32
      %dma_start3A_186 = tpu.memref_slice %arg9[%run_scoped3A_25, %dma_start3A_185] : memref<4x128xi32, #tpu.memory_space<vmem>> -> memref<1x128xi32, #tpu.memory_space<vmem>>
      %dma_start3A_187 = tpu.memref_squeeze %dma_start3A_186 : memref<1x128xi32, #tpu.memory_space<vmem>> -> memref<128xi32, #tpu.memory_space<vmem>>
      %dma_start3A_188 = tpu.memref_slice %arg3[%add3A_24] : memref<16384xi32, #tpu.memory_space<hbm>> -> memref<128xi32, #tpu.memory_space<hbm>>
      %dma_start3A_189 = arith.constant 0 : i32
      %dma_start3A_190 = tpu.memref_slice %arg9[%run_scoped3A_25, %dma_start3A_189] : memref<4x128xi32, #tpu.memory_space<vmem>> -> memref<1x128xi32, #tpu.memory_space<vmem>>
      %dma_start3A_191 = tpu.memref_squeeze %dma_start3A_190 : memref<1x128xi32, #tpu.memory_space<vmem>> -> memref<128xi32, #tpu.memory_space<vmem>>
      %dma_start3A_192 = tpu.memref_slice %arg3[%add3A_24] : memref<16384xi32, #tpu.memory_space<hbm>> -> memref<128xi32, #tpu.memory_space<hbm>>
      tpu.enqueue_dma source(%dma_start3A_192 : memref<128xi32, #tpu.memory_space<hbm>>) target(%dma_start3A_191 : memref<128xi32, #tpu.memory_space<vmem>>) target_semaphore(%run_scoped3A_184 : memref<!tpu.dma_semaphore, #tpu.memory_space<semaphore_mem>>)
      %dma_wait3A_193 = arith.constant 0 : i32
      %dma_wait3A_194 = tpu.memref_slice %arg9[%run_scoped3A_25, %dma_wait3A_193] : memref<4x128xi32, #tpu.memory_space<vmem>> -> memref<1x128xi32, #tpu.memory_space<vmem>>
      %dma_wait3A_195 = tpu.memref_squeeze %dma_wait3A_194 : memref<1x128xi32, #tpu.memory_space<vmem>> -> memref<128xi32, #tpu.memory_space<vmem>>
      %dma_wait3A_196 = tpu.memref_slice %arg3[%add3A_24] : memref<16384xi32, #tpu.memory_space<hbm>> -> memref<128xi32, #tpu.memory_space<hbm>>
      %dma_wait3A_197 = arith.constant 0 : i32
      %dma_wait3A_198 = tpu.memref_slice %arg9[%run_scoped3A_25, %dma_wait3A_197] : memref<4x128xi32, #tpu.memory_space<vmem>> -> memref<1x128xi32, #tpu.memory_space<vmem>>
      %dma_wait3A_199 = tpu.memref_squeeze %dma_wait3A_198 : memref<1x128xi32, #tpu.memory_space<vmem>> -> memref<128xi32, #tpu.memory_space<vmem>>
      %dma_wait3A_200 = tpu.memref_slice %arg3[%add3A_24] : memref<16384xi32, #tpu.memory_space<hbm>> -> memref<128xi32, #tpu.memory_space<hbm>>
      tpu.wait_dma2 semaphore(%run_scoped3A_184 : memref<!tpu.dma_semaphore, #tpu.memory_space<semaphore_mem>>) src(%dma_wait3A_200 : memref<128xi32, #tpu.memory_space<hbm>>) dst(%dma_wait3A_199 : memref<128xi32, #tpu.memory_space<vmem>>)
      tpu.yield
    }) : () -> ()
    %dma_start3A = arith.constant 0 : i32
    %dma_start3A_26 = arith.constant 0 : i32
    %dma_start3A_27 = arith.constant 0 : i32
    %dma_start3A_28 = tpu.memref_slice %arg10[%dma_start3A_26, %dma_start3A_27] : memref<512x128xf32, #tpu.memory_space<vmem>> -> memref<128x128xf32, #tpu.memory_space<vmem>>
    %dma_start3A_29 = arith.constant 0 : i32
    %dma_start3A_30 = tpu.memref_slice %arg8[%dma_start3A, %dma_start3A_29] : memref<4x128xi32, #tpu.memory_space<vmem>> -> memref<1x128xi32, #tpu.memory_space<vmem>>
    %dma_start3A_31 = tpu.memref_squeeze %dma_start3A_30 : memref<1x128xi32, #tpu.memory_space<vmem>> -> memref<128xi32, #tpu.memory_space<vmem>>
    %dma_start3A_32 = arith.constant 0 : i32
    %dma_start3A_33 = arith.constant 0 : i32
    %dma_start3A_34 = tpu.memref_slice %arg4[%dma_start3A_32, %dma_start3A_33] : memref<500000x128xf32, #tpu.memory_space<hbm>> -> memref<500000x128xf32, #tpu.memory_space<hbm>>
    tpu.enqueue_indirect_dma source(%dma_start3A_34 : memref<500000x128xf32, #tpu.memory_space<hbm>>) target(%dma_start3A_28 : memref<128x128xf32, #tpu.memory_space<vmem>>) offsets(%dma_start3A_31 : memref<128xi32, #tpu.memory_space<vmem>>) semaphore(%arg11 : memref<!tpu.dma_semaphore, #tpu.memory_space<semaphore_mem>>)
    %dma_start3A_35 = arith.constant 1 : i32
    %dma_start3A_36 = arith.constant 128 : i32
    %dma_start3A_37 = arith.constant 0 : i32
    %dma_start3A_38 = tpu.memref_slice %arg10[%dma_start3A_36, %dma_start3A_37] : memref<512x128xf32, #tpu.memory_space<vmem>> -> memref<128x128xf32, #tpu.memory_space<vmem>>
    %dma_start3A_39 = arith.constant 0 : i32
    %dma_start3A_40 = tpu.memref_slice %arg8[%dma_start3A_35, %dma_start3A_39] : memref<4x128xi32, #tpu.memory_space<vmem>> -> memref<1x128xi32, #tpu.memory_space<vmem>>
    %dma_start3A_41 = tpu.memref_squeeze %dma_start3A_40 : memref<1x128xi32, #tpu.memory_space<vmem>> -> memref<128xi32, #tpu.memory_space<vmem>>
    %dma_start3A_42 = arith.constant 0 : i32
    %dma_start3A_43 = arith.constant 0 : i32
    %dma_start3A_44 = tpu.memref_slice %arg4[%dma_start3A_42, %dma_start3A_43] : memref<500000x128xf32, #tpu.memory_space<hbm>> -> memref<500000x128xf32, #tpu.memory_space<hbm>>
    tpu.enqueue_indirect_dma source(%dma_start3A_44 : memref<500000x128xf32, #tpu.memory_space<hbm>>) target(%dma_start3A_38 : memref<128x128xf32, #tpu.memory_space<vmem>>) offsets(%dma_start3A_41 : memref<128xi32, #tpu.memory_space<vmem>>) semaphore(%arg11 : memref<!tpu.dma_semaphore, #tpu.memory_space<semaphore_mem>>)
    %dma_start3A_45 = arith.constant 2 : i32
    %dma_start3A_46 = arith.constant 256 : i32
    %dma_start3A_47 = arith.constant 0 : i32
    %dma_start3A_48 = tpu.memref_slice %arg10[%dma_start3A_46, %dma_start3A_47] : memref<512x128xf32, #tpu.memory_space<vmem>> -> memref<128x128xf32, #tpu.memory_space<vmem>>
    %dma_start3A_49 = arith.constant 0 : i32
    %dma_start3A_50 = tpu.memref_slice %arg8[%dma_start3A_45, %dma_start3A_49] : memref<4x128xi32, #tpu.memory_space<vmem>> -> memref<1x128xi32, #tpu.memory_space<vmem>>
    %dma_start3A_51 = tpu.memref_squeeze %dma_start3A_50 : memref<1x128xi32, #tpu.memory_space<vmem>> -> memref<128xi32, #tpu.memory_space<vmem>>
    %dma_start3A_52 = arith.constant 0 : i32
    %dma_start3A_53 = arith.constant 0 : i32
    %dma_start3A_54 = tpu.memref_slice %arg4[%dma_start3A_52, %dma_start3A_53] : memref<500000x128xf32, #tpu.memory_space<hbm>> -> memref<500000x128xf32, #tpu.memory_space<hbm>>
    tpu.enqueue_indirect_dma source(%dma_start3A_54 : memref<500000x128xf32, #tpu.memory_space<hbm>>) target(%dma_start3A_48 : memref<128x128xf32, #tpu.memory_space<vmem>>) offsets(%dma_start3A_51 : memref<128xi32, #tpu.memory_space<vmem>>) semaphore(%arg11 : memref<!tpu.dma_semaphore, #tpu.memory_space<semaphore_mem>>)
    %dma_start3A_55 = arith.constant 3 : i32
    %dma_start3A_56 = arith.constant 384 : i32
    %dma_start3A_57 = arith.constant 0 : i32
    %dma_start3A_58 = tpu.memref_slice %arg10[%dma_start3A_56, %dma_start3A_57] : memref<512x128xf32, #tpu.memory_space<vmem>> -> memref<128x128xf32, #tpu.memory_space<vmem>>
    %dma_start3A_59 = arith.constant 0 : i32
    %dma_start3A_60 = tpu.memref_slice %arg8[%dma_start3A_55, %dma_start3A_59] : memref<4x128xi32, #tpu.memory_space<vmem>> -> memref<1x128xi32, #tpu.memory_space<vmem>>
    %dma_start3A_61 = tpu.memref_squeeze %dma_start3A_60 : memref<1x128xi32, #tpu.memory_space<vmem>> -> memref<128xi32, #tpu.memory_space<vmem>>
    %dma_start3A_62 = arith.constant 0 : i32
    %dma_start3A_63 = arith.constant 0 : i32
    %dma_start3A_64 = tpu.memref_slice %arg4[%dma_start3A_62, %dma_start3A_63] : memref<500000x128xf32, #tpu.memory_space<hbm>> -> memref<500000x128xf32, #tpu.memory_space<hbm>>
    tpu.enqueue_indirect_dma source(%dma_start3A_64 : memref<500000x128xf32, #tpu.memory_space<hbm>>) target(%dma_start3A_58 : memref<128x128xf32, #tpu.memory_space<vmem>>) offsets(%dma_start3A_61 : memref<128xi32, #tpu.memory_space<vmem>>) semaphore(%arg11 : memref<!tpu.dma_semaphore, #tpu.memory_space<semaphore_mem>>)
    %dma_wait3A = arith.constant 0 : i32
    %dma_wait3A_65 = arith.constant 0 : i32
    %dma_wait3A_66 = arith.constant 0 : i32
    %dma_wait3A_67 = tpu.memref_slice %arg10[%dma_wait3A_65, %dma_wait3A_66] : memref<512x128xf32, #tpu.memory_space<vmem>> -> memref<128x128xf32, #tpu.memory_space<vmem>>
    %dma_wait3A_68 = arith.constant 0 : i32
    %dma_wait3A_69 = tpu.memref_slice %arg8[%dma_wait3A, %dma_wait3A_68] : memref<4x128xi32, #tpu.memory_space<vmem>> -> memref<1x128xi32, #tpu.memory_space<vmem>>
    %dma_wait3A_70 = tpu.memref_squeeze %dma_wait3A_69 : memref<1x128xi32, #tpu.memory_space<vmem>> -> memref<128xi32, #tpu.memory_space<vmem>>
    %dma_wait3A_71 = arith.constant 0 : i32
    %dma_wait3A_72 = arith.constant 0 : i32
    %dma_wait3A_73 = tpu.memref_slice %arg4[%dma_wait3A_71, %dma_wait3A_72] : memref<500000x128xf32, #tpu.memory_space<hbm>> -> memref<500000x128xf32, #tpu.memory_space<hbm>>
    tpu.wait_indirect_dma semaphore(%arg11 : memref<!tpu.dma_semaphore, #tpu.memory_space<semaphore_mem>>) src(%dma_wait3A_73 : memref<500000x128xf32, #tpu.memory_space<hbm>>) dst(%dma_wait3A_67 : memref<128x128xf32, #tpu.memory_space<vmem>>)
    %dma_wait3A_74 = arith.constant 1 : i32
    %dma_wait3A_75 = arith.constant 128 : i32
    %dma_wait3A_76 = arith.constant 0 : i32
    %dma_wait3A_77 = tpu.memref_slice %arg10[%dma_wait3A_75, %dma_wait3A_76] : memref<512x128xf32, #tpu.memory_space<vmem>> -> memref<128x128xf32, #tpu.memory_space<vmem>>
    %dma_wait3A_78 = arith.constant 0 : i32
    %dma_wait3A_79 = tpu.memref_slice %arg8[%dma_wait3A_74, %dma_wait3A_78] : memref<4x128xi32, #tpu.memory_space<vmem>> -> memref<1x128xi32, #tpu.memory_space<vmem>>
    %dma_wait3A_80 = tpu.memref_squeeze %dma_wait3A_79 : memref<1x128xi32, #tpu.memory_space<vmem>> -> memref<128xi32, #tpu.memory_space<vmem>>
    %dma_wait3A_81 = arith.constant 0 : i32
    %dma_wait3A_82 = arith.constant 0 : i32
    %dma_wait3A_83 = tpu.memref_slice %arg4[%dma_wait3A_81, %dma_wait3A_82] : memref<500000x128xf32, #tpu.memory_space<hbm>> -> memref<500000x128xf32, #tpu.memory_space<hbm>>
    tpu.wait_indirect_dma semaphore(%arg11 : memref<!tpu.dma_semaphore, #tpu.memory_space<semaphore_mem>>) src(%dma_wait3A_83 : memref<500000x128xf32, #tpu.memory_space<hbm>>) dst(%dma_wait3A_77 : memref<128x128xf32, #tpu.memory_space<vmem>>)
    %dma_wait3A_84 = arith.constant 2 : i32
    %dma_wait3A_85 = arith.constant 256 : i32
    %dma_wait3A_86 = arith.constant 0 : i32
    %dma_wait3A_87 = tpu.memref_slice %arg10[%dma_wait3A_85, %dma_wait3A_86] : memref<512x128xf32, #tpu.memory_space<vmem>> -> memref<128x128xf32, #tpu.memory_space<vmem>>
    %dma_wait3A_88 = arith.constant 0 : i32
    %dma_wait3A_89 = tpu.memref_slice %arg8[%dma_wait3A_84, %dma_wait3A_88] : memref<4x128xi32, #tpu.memory_space<vmem>> -> memref<1x128xi32, #tpu.memory_space<vmem>>
    %dma_wait3A_90 = tpu.memref_squeeze %dma_wait3A_89 : memref<1x128xi32, #tpu.memory_space<vmem>> -> memref<128xi32, #tpu.memory_space<vmem>>
    %dma_wait3A_91 = arith.constant 0 : i32
    %dma_wait3A_92 = arith.constant 0 : i32
    %dma_wait3A_93 = tpu.memref_slice %arg4[%dma_wait3A_91, %dma_wait3A_92] : memref<500000x128xf32, #tpu.memory_space<hbm>> -> memref<500000x128xf32, #tpu.memory_space<hbm>>
    tpu.wait_indirect_dma semaphore(%arg11 : memref<!tpu.dma_semaphore, #tpu.memory_space<semaphore_mem>>) src(%dma_wait3A_93 : memref<500000x128xf32, #tpu.memory_space<hbm>>) dst(%dma_wait3A_87 : memref<128x128xf32, #tpu.memory_space<vmem>>)
    %dma_wait3A_94 = arith.constant 3 : i32
    %dma_wait3A_95 = arith.constant 384 : i32
    %dma_wait3A_96 = arith.constant 0 : i32
    %dma_wait3A_97 = tpu.memref_slice %arg10[%dma_wait3A_95, %dma_wait3A_96] : memref<512x128xf32, #tpu.memory_space<vmem>> -> memref<128x128xf32, #tpu.memory_space<vmem>>
    %dma_wait3A_98 = arith.constant 0 : i32
    %dma_wait3A_99 = tpu.memref_slice %arg8[%dma_wait3A_94, %dma_wait3A_98] : memref<4x128xi32, #tpu.memory_space<vmem>> -> memref<1x128xi32, #tpu.memory_space<vmem>>
    %dma_wait3A_100 = tpu.memref_squeeze %dma_wait3A_99 : memref<1x128xi32, #tpu.memory_space<vmem>> -> memref<128xi32, #tpu.memory_space<vmem>>
    %dma_wait3A_101 = arith.constant 0 : i32
    %dma_wait3A_102 = arith.constant 0 : i32
    %dma_wait3A_103 = tpu.memref_slice %arg4[%dma_wait3A_101, %dma_wait3A_102] : memref<500000x128xf32, #tpu.memory_space<hbm>> -> memref<500000x128xf32, #tpu.memory_space<hbm>>
    tpu.wait_indirect_dma semaphore(%arg11 : memref<!tpu.dma_semaphore, #tpu.memory_space<semaphore_mem>>) src(%dma_wait3A_103 : memref<500000x128xf32, #tpu.memory_space<hbm>>) dst(%dma_wait3A_97 : memref<128x128xf32, #tpu.memory_space<vmem>>)
    "tpu.region"() ({
      %run_scoped3A_184 = tpu.sem_alloc : memref<!tpu.dma_semaphore, #tpu.memory_space<semaphore_mem>>
      %dma_start3A_185 = arith.constant 0 : i32
      %dma_start3A_186 = tpu.memref_slice %arg6[%mul3A_2, %dma_start3A_185] : memref<16384x128xf32, #tpu.memory_space<hbm>> -> memref<512x128xf32, #tpu.memory_space<hbm>>
      %dma_start3A_187 = arith.constant 0 : i32
      %dma_start3A_188 = tpu.memref_slice %arg6[%mul3A_2, %dma_start3A_187] : memref<16384x128xf32, #tpu.memory_space<hbm>> -> memref<512x128xf32, #tpu.memory_space<hbm>>
      tpu.enqueue_dma source(%arg10 : memref<512x128xf32, #tpu.memory_space<vmem>>) target(%dma_start3A_188 : memref<512x128xf32, #tpu.memory_space<hbm>>) target_semaphore(%run_scoped3A_184 : memref<!tpu.dma_semaphore, #tpu.memory_space<semaphore_mem>>)
      %dma_wait3A_189 = arith.constant 0 : i32
      %dma_wait3A_190 = tpu.memref_slice %arg6[%mul3A_2, %dma_wait3A_189] : memref<16384x128xf32, #tpu.memory_space<hbm>> -> memref<512x128xf32, #tpu.memory_space<hbm>>
      %dma_wait3A_191 = arith.constant 0 : i32
      %dma_wait3A_192 = tpu.memref_slice %arg6[%mul3A_2, %dma_wait3A_191] : memref<16384x128xf32, #tpu.memory_space<hbm>> -> memref<512x128xf32, #tpu.memory_space<hbm>>
      tpu.wait_dma2 semaphore(%run_scoped3A_184 : memref<!tpu.dma_semaphore, #tpu.memory_space<semaphore_mem>>) src(%arg10 : memref<512x128xf32, #tpu.memory_space<vmem>>) dst(%dma_wait3A_192 : memref<512x128xf32, #tpu.memory_space<hbm>>)
      tpu.yield
    }) : () -> ()
    %dma_start3A_104 = arith.constant 0 : i32
    %dma_start3A_105 = arith.constant 0 : i32
    %dma_start3A_106 = arith.constant 0 : i32
    %dma_start3A_107 = tpu.memref_slice %arg10[%dma_start3A_105, %dma_start3A_106] : memref<512x128xf32, #tpu.memory_space<vmem>> -> memref<128x128xf32, #tpu.memory_space<vmem>>
    %dma_start3A_108 = arith.constant 0 : i32
    %dma_start3A_109 = tpu.memref_slice %arg9[%dma_start3A_104, %dma_start3A_108] : memref<4x128xi32, #tpu.memory_space<vmem>> -> memref<1x128xi32, #tpu.memory_space<vmem>>
    %dma_start3A_110 = tpu.memref_squeeze %dma_start3A_109 : memref<1x128xi32, #tpu.memory_space<vmem>> -> memref<128xi32, #tpu.memory_space<vmem>>
    %dma_start3A_111 = arith.constant 0 : i32
    %dma_start3A_112 = arith.constant 0 : i32
    %dma_start3A_113 = tpu.memref_slice %arg5[%dma_start3A_111, %dma_start3A_112] : memref<500000x128xf32, #tpu.memory_space<hbm>> -> memref<500000x128xf32, #tpu.memory_space<hbm>>
    tpu.enqueue_indirect_dma source(%dma_start3A_113 : memref<500000x128xf32, #tpu.memory_space<hbm>>) target(%dma_start3A_107 : memref<128x128xf32, #tpu.memory_space<vmem>>) offsets(%dma_start3A_110 : memref<128xi32, #tpu.memory_space<vmem>>) semaphore(%arg11 : memref<!tpu.dma_semaphore, #tpu.memory_space<semaphore_mem>>)
    %dma_start3A_114 = arith.constant 1 : i32
    %dma_start3A_115 = arith.constant 128 : i32
    %dma_start3A_116 = arith.constant 0 : i32
    %dma_start3A_117 = tpu.memref_slice %arg10[%dma_start3A_115, %dma_start3A_116] : memref<512x128xf32, #tpu.memory_space<vmem>> -> memref<128x128xf32, #tpu.memory_space<vmem>>
    %dma_start3A_118 = arith.constant 0 : i32
    %dma_start3A_119 = tpu.memref_slice %arg9[%dma_start3A_114, %dma_start3A_118] : memref<4x128xi32, #tpu.memory_space<vmem>> -> memref<1x128xi32, #tpu.memory_space<vmem>>
    %dma_start3A_120 = tpu.memref_squeeze %dma_start3A_119 : memref<1x128xi32, #tpu.memory_space<vmem>> -> memref<128xi32, #tpu.memory_space<vmem>>
    %dma_start3A_121 = arith.constant 0 : i32
    %dma_start3A_122 = arith.constant 0 : i32
    %dma_start3A_123 = tpu.memref_slice %arg5[%dma_start3A_121, %dma_start3A_122] : memref<500000x128xf32, #tpu.memory_space<hbm>> -> memref<500000x128xf32, #tpu.memory_space<hbm>>
    tpu.enqueue_indirect_dma source(%dma_start3A_123 : memref<500000x128xf32, #tpu.memory_space<hbm>>) target(%dma_start3A_117 : memref<128x128xf32, #tpu.memory_space<vmem>>) offsets(%dma_start3A_120 : memref<128xi32, #tpu.memory_space<vmem>>) semaphore(%arg11 : memref<!tpu.dma_semaphore, #tpu.memory_space<semaphore_mem>>)
    %dma_start3A_124 = arith.constant 2 : i32
    %dma_start3A_125 = arith.constant 256 : i32
    %dma_start3A_126 = arith.constant 0 : i32
    %dma_start3A_127 = tpu.memref_slice %arg10[%dma_start3A_125, %dma_start3A_126] : memref<512x128xf32, #tpu.memory_space<vmem>> -> memref<128x128xf32, #tpu.memory_space<vmem>>
    %dma_start3A_128 = arith.constant 0 : i32
    %dma_start3A_129 = tpu.memref_slice %arg9[%dma_start3A_124, %dma_start3A_128] : memref<4x128xi32, #tpu.memory_space<vmem>> -> memref<1x128xi32, #tpu.memory_space<vmem>>
    %dma_start3A_130 = tpu.memref_squeeze %dma_start3A_129 : memref<1x128xi32, #tpu.memory_space<vmem>> -> memref<128xi32, #tpu.memory_space<vmem>>
    %dma_start3A_131 = arith.constant 0 : i32
    %dma_start3A_132 = arith.constant 0 : i32
    %dma_start3A_133 = tpu.memref_slice %arg5[%dma_start3A_131, %dma_start3A_132] : memref<500000x128xf32, #tpu.memory_space<hbm>> -> memref<500000x128xf32, #tpu.memory_space<hbm>>
    tpu.enqueue_indirect_dma source(%dma_start3A_133 : memref<500000x128xf32, #tpu.memory_space<hbm>>) target(%dma_start3A_127 : memref<128x128xf32, #tpu.memory_space<vmem>>) offsets(%dma_start3A_130 : memref<128xi32, #tpu.memory_space<vmem>>) semaphore(%arg11 : memref<!tpu.dma_semaphore, #tpu.memory_space<semaphore_mem>>)
    %dma_start3A_134 = arith.constant 3 : i32
    %dma_start3A_135 = arith.constant 384 : i32
    %dma_start3A_136 = arith.constant 0 : i32
    %dma_start3A_137 = tpu.memref_slice %arg10[%dma_start3A_135, %dma_start3A_136] : memref<512x128xf32, #tpu.memory_space<vmem>> -> memref<128x128xf32, #tpu.memory_space<vmem>>
    %dma_start3A_138 = arith.constant 0 : i32
    %dma_start3A_139 = tpu.memref_slice %arg9[%dma_start3A_134, %dma_start3A_138] : memref<4x128xi32, #tpu.memory_space<vmem>> -> memref<1x128xi32, #tpu.memory_space<vmem>>
    %dma_start3A_140 = tpu.memref_squeeze %dma_start3A_139 : memref<1x128xi32, #tpu.memory_space<vmem>> -> memref<128xi32, #tpu.memory_space<vmem>>
    %dma_start3A_141 = arith.constant 0 : i32
    %dma_start3A_142 = arith.constant 0 : i32
    %dma_start3A_143 = tpu.memref_slice %arg5[%dma_start3A_141, %dma_start3A_142] : memref<500000x128xf32, #tpu.memory_space<hbm>> -> memref<500000x128xf32, #tpu.memory_space<hbm>>
    tpu.enqueue_indirect_dma source(%dma_start3A_143 : memref<500000x128xf32, #tpu.memory_space<hbm>>) target(%dma_start3A_137 : memref<128x128xf32, #tpu.memory_space<vmem>>) offsets(%dma_start3A_140 : memref<128xi32, #tpu.memory_space<vmem>>) semaphore(%arg11 : memref<!tpu.dma_semaphore, #tpu.memory_space<semaphore_mem>>)
    %dma_wait3A_144 = arith.constant 0 : i32
    %dma_wait3A_145 = arith.constant 0 : i32
    %dma_wait3A_146 = arith.constant 0 : i32
    %dma_wait3A_147 = tpu.memref_slice %arg10[%dma_wait3A_145, %dma_wait3A_146] : memref<512x128xf32, #tpu.memory_space<vmem>> -> memref<128x128xf32, #tpu.memory_space<vmem>>
    %dma_wait3A_148 = arith.constant 0 : i32
    %dma_wait3A_149 = tpu.memref_slice %arg9[%dma_wait3A_144, %dma_wait3A_148] : memref<4x128xi32, #tpu.memory_space<vmem>> -> memref<1x128xi32, #tpu.memory_space<vmem>>
    %dma_wait3A_150 = tpu.memref_squeeze %dma_wait3A_149 : memref<1x128xi32, #tpu.memory_space<vmem>> -> memref<128xi32, #tpu.memory_space<vmem>>
    %dma_wait3A_151 = arith.constant 0 : i32
    %dma_wait3A_152 = arith.constant 0 : i32
    %dma_wait3A_153 = tpu.memref_slice %arg5[%dma_wait3A_151, %dma_wait3A_152] : memref<500000x128xf32, #tpu.memory_space<hbm>> -> memref<500000x128xf32, #tpu.memory_space<hbm>>
    tpu.wait_indirect_dma semaphore(%arg11 : memref<!tpu.dma_semaphore, #tpu.memory_space<semaphore_mem>>) src(%dma_wait3A_153 : memref<500000x128xf32, #tpu.memory_space<hbm>>) dst(%dma_wait3A_147 : memref<128x128xf32, #tpu.memory_space<vmem>>)
    %dma_wait3A_154 = arith.constant 1 : i32
    %dma_wait3A_155 = arith.constant 128 : i32
    %dma_wait3A_156 = arith.constant 0 : i32
    %dma_wait3A_157 = tpu.memref_slice %arg10[%dma_wait3A_155, %dma_wait3A_156] : memref<512x128xf32, #tpu.memory_space<vmem>> -> memref<128x128xf32, #tpu.memory_space<vmem>>
    %dma_wait3A_158 = arith.constant 0 : i32
    %dma_wait3A_159 = tpu.memref_slice %arg9[%dma_wait3A_154, %dma_wait3A_158] : memref<4x128xi32, #tpu.memory_space<vmem>> -> memref<1x128xi32, #tpu.memory_space<vmem>>
    %dma_wait3A_160 = tpu.memref_squeeze %dma_wait3A_159 : memref<1x128xi32, #tpu.memory_space<vmem>> -> memref<128xi32, #tpu.memory_space<vmem>>
    %dma_wait3A_161 = arith.constant 0 : i32
    %dma_wait3A_162 = arith.constant 0 : i32
    %dma_wait3A_163 = tpu.memref_slice %arg5[%dma_wait3A_161, %dma_wait3A_162] : memref<500000x128xf32, #tpu.memory_space<hbm>> -> memref<500000x128xf32, #tpu.memory_space<hbm>>
    tpu.wait_indirect_dma semaphore(%arg11 : memref<!tpu.dma_semaphore, #tpu.memory_space<semaphore_mem>>) src(%dma_wait3A_163 : memref<500000x128xf32, #tpu.memory_space<hbm>>) dst(%dma_wait3A_157 : memref<128x128xf32, #tpu.memory_space<vmem>>)
    %dma_wait3A_164 = arith.constant 2 : i32
    %dma_wait3A_165 = arith.constant 256 : i32
    %dma_wait3A_166 = arith.constant 0 : i32
    %dma_wait3A_167 = tpu.memref_slice %arg10[%dma_wait3A_165, %dma_wait3A_166] : memref<512x128xf32, #tpu.memory_space<vmem>> -> memref<128x128xf32, #tpu.memory_space<vmem>>
    %dma_wait3A_168 = arith.constant 0 : i32
    %dma_wait3A_169 = tpu.memref_slice %arg9[%dma_wait3A_164, %dma_wait3A_168] : memref<4x128xi32, #tpu.memory_space<vmem>> -> memref<1x128xi32, #tpu.memory_space<vmem>>
    %dma_wait3A_170 = tpu.memref_squeeze %dma_wait3A_169 : memref<1x128xi32, #tpu.memory_space<vmem>> -> memref<128xi32, #tpu.memory_space<vmem>>
    %dma_wait3A_171 = arith.constant 0 : i32
    %dma_wait3A_172 = arith.constant 0 : i32
    %dma_wait3A_173 = tpu.memref_slice %arg5[%dma_wait3A_171, %dma_wait3A_172] : memref<500000x128xf32, #tpu.memory_space<hbm>> -> memref<500000x128xf32, #tpu.memory_space<hbm>>
    tpu.wait_indirect_dma semaphore(%arg11 : memref<!tpu.dma_semaphore, #tpu.memory_space<semaphore_mem>>) src(%dma_wait3A_173 : memref<500000x128xf32, #tpu.memory_space<hbm>>) dst(%dma_wait3A_167 : memref<128x128xf32, #tpu.memory_space<vmem>>)
    %dma_wait3A_174 = arith.constant 3 : i32
    %dma_wait3A_175 = arith.constant 384 : i32
    %dma_wait3A_176 = arith.constant 0 : i32
    %dma_wait3A_177 = tpu.memref_slice %arg10[%dma_wait3A_175, %dma_wait3A_176] : memref<512x128xf32, #tpu.memory_space<vmem>> -> memref<128x128xf32, #tpu.memory_space<vmem>>
    %dma_wait3A_178 = arith.constant 0 : i32
    %dma_wait3A_179 = tpu.memref_slice %arg9[%dma_wait3A_174, %dma_wait3A_178] : memref<4x128xi32, #tpu.memory_space<vmem>> -> memref<1x128xi32, #tpu.memory_space<vmem>>
    %dma_wait3A_180 = tpu.memref_squeeze %dma_wait3A_179 : memref<1x128xi32, #tpu.memory_space<vmem>> -> memref<128xi32, #tpu.memory_space<vmem>>
    %dma_wait3A_181 = arith.constant 0 : i32
    %dma_wait3A_182 = arith.constant 0 : i32
    %dma_wait3A_183 = tpu.memref_slice %arg5[%dma_wait3A_181, %dma_wait3A_182] : memref<500000x128xf32, #tpu.memory_space<hbm>> -> memref<500000x128xf32, #tpu.memory_space<hbm>>
    tpu.wait_indirect_dma semaphore(%arg11 : memref<!tpu.dma_semaphore, #tpu.memory_space<semaphore_mem>>) src(%dma_wait3A_183 : memref<500000x128xf32, #tpu.memory_space<hbm>>) dst(%dma_wait3A_177 : memref<128x128xf32, #tpu.memory_space<vmem>>)
    "tpu.region"() ({
      %run_scoped3A_184 = tpu.sem_alloc : memref<!tpu.dma_semaphore, #tpu.memory_space<semaphore_mem>>
      %dma_start3A_185 = arith.constant 0 : i32
      %dma_start3A_186 = tpu.memref_slice %arg7[%mul3A_2, %dma_start3A_185] : memref<16384x128xf32, #tpu.memory_space<hbm>> -> memref<512x128xf32, #tpu.memory_space<hbm>>
      %dma_start3A_187 = arith.constant 0 : i32
      %dma_start3A_188 = tpu.memref_slice %arg7[%mul3A_2, %dma_start3A_187] : memref<16384x128xf32, #tpu.memory_space<hbm>> -> memref<512x128xf32, #tpu.memory_space<hbm>>
      tpu.enqueue_dma source(%arg10 : memref<512x128xf32, #tpu.memory_space<vmem>>) target(%dma_start3A_188 : memref<512x128xf32, #tpu.memory_space<hbm>>) target_semaphore(%run_scoped3A_184 : memref<!tpu.dma_semaphore, #tpu.memory_space<semaphore_mem>>)
      %dma_wait3A_189 = arith.constant 0 : i32
      %dma_wait3A_190 = tpu.memref_slice %arg7[%mul3A_2, %dma_wait3A_189] : memref<16384x128xf32, #tpu.memory_space<hbm>> -> memref<512x128xf32, #tpu.memory_space<hbm>>
      %dma_wait3A_191 = arith.constant 0 : i32
      %dma_wait3A_192 = tpu.memref_slice %arg7[%mul3A_2, %dma_wait3A_191] : memref<16384x128xf32, #tpu.memory_space<hbm>> -> memref<512x128xf32, #tpu.memory_space<hbm>>
      tpu.wait_dma2 semaphore(%run_scoped3A_184 : memref<!tpu.dma_semaphore, #tpu.memory_space<semaphore_mem>>) src(%arg10 : memref<512x128xf32, #tpu.memory_space<vmem>>) dst(%dma_wait3A_192 : memref<512x128xf32, #tpu.memory_space<hbm>>)
      tpu.yield
    }) : () -> ()
    return
  }
}

module attributes {stable_mosaic.version = 14 : i64} {
  func.func @_mlp_body(%arg0: i32, %arg1: memref<2048x128xf32, #tpu.memory_space<vmem>>, %arg2: memref<2048x128xf32, #tpu.memory_space<vmem>>, %arg3: memref<2048x1xi32, #tpu.memory_space<vmem>>, %arg4: memref<2048x1xi32, #tpu.memory_space<vmem>>, %arg5: memref<128x256xf32, #tpu.memory_space<vmem>>, %arg6: memref<128x256xf32, #tpu.memory_space<vmem>>, %arg7: memref<1x256xf32, #tpu.memory_space<vmem>>, %arg8: memref<256x1xf32, #tpu.memory_space<vmem>>, %arg9: memref<1x1xf32, #tpu.memory_space<vmem>>, %arg10: memref<2048x1xf32, #tpu.memory_space<vmem>>) attributes {dimension_semantics = [#tpu.dimension_semantics<arbitrary>], iteration_bounds = array<i64: 8>, scalar_prefetch = 0 : i64, scratch_operands = 0 : i64, tpu.core_type = #tpu.core_type<tc>, window_params = [{transform_indices = @transform_0, window_bounds = array<i64: 2048, 128>}, {transform_indices = @transform_1, window_bounds = array<i64: 2048, 128>}, {transform_indices = @transform_2, window_bounds = array<i64: 2048, 1>}, {transform_indices = @transform_3, window_bounds = array<i64: 2048, 1>}, {pipeline_mode = #tpu.pipeline_mode<synchronous>, transform_indices = @transform_4, window_bounds = array<i64: 128, 256>}, {pipeline_mode = #tpu.pipeline_mode<synchronous>, transform_indices = @transform_5, window_bounds = array<i64: 128, 256>}, {pipeline_mode = #tpu.pipeline_mode<synchronous>, transform_indices = @transform_6, window_bounds = array<i64: 1, 256>}, {pipeline_mode = #tpu.pipeline_mode<synchronous>, transform_indices = @transform_7, window_bounds = array<i64: 256, 1>}, {pipeline_mode = #tpu.pipeline_mode<synchronous>, transform_indices = @transform_8, window_bounds = array<i64: 1, 1>}, {transform_indices = @transform_9, window_bounds = array<i64: 2048, 1>}]} {
    %iota3A = tpu.iota {dimensions = array<i32: 1>} : vector<2048x128xi32>
    %lt3A = arith.constant 64 : i32
    %lt3A_0 = vector.broadcast %lt3A : i32 to vector<2048x128xi32>
    %lt3A_1 = arith.cmpi slt, %iota3A, %lt3A_0 : vector<2048x128xi32>
    %convert_element_type3A = arith.extui %lt3A_1 : vector<2048x128xi1> to vector<2048x128xi32>
    %convert_element_type3A_2 = arith.sitofp %convert_element_type3A : vector<2048x128xi32> to vector<2048x128xf32>
    %sub3A = arith.constant 1.000000e+00 : f32
    %sub3A_3 = vector.broadcast %sub3A : f32 to vector<2048x128xf32>
    %sub3A_4 = arith.subf %sub3A_3, %convert_element_type3A_2 : vector<2048x128xf32>
    %get3A = arith.constant 0 : index
    %get3A_5 = arith.constant 0 : index
    %get3A_6 = vector.load %arg3[%get3A, %get3A_5] : memref<2048x1xi32, #tpu.memory_space<vmem>>, vector<2048x1xi32>
    %convert_element_type3A_7 = arith.sitofp %get3A_6 : vector<2048x1xi32> to vector<2048x1xf32>
    %get3A_8 = arith.constant 0 : index
    %get3A_9 = arith.constant 0 : index
    %get3A_10 = vector.load %arg4[%get3A_8, %get3A_9] : memref<2048x1xi32, #tpu.memory_space<vmem>>, vector<2048x1xi32>
    %convert_element_type3A_11 = arith.sitofp %get3A_10 : vector<2048x1xi32> to vector<2048x1xf32>
    %sub3A_12 = arith.constant 1.000000e+00 : f32
    %sub3A_13 = vector.broadcast %sub3A_12 : f32 to vector<2048x1xf32>
    %sub3A_14 = arith.subf %sub3A_13, %convert_element_type3A_7 : vector<2048x1xf32>
    %mul3A = vector.broadcast %sub3A_14 : vector<2048x1xf32> to vector<2048x128xf32>
    %mul3A_15 = arith.mulf %convert_element_type3A_2, %mul3A : vector<2048x128xf32>
    %mul3A_16 = vector.broadcast %convert_element_type3A_7 : vector<2048x1xf32> to vector<2048x128xf32>
    %mul3A_17 = arith.mulf %sub3A_4, %mul3A_16 : vector<2048x128xf32>
    %add3A = arith.addf %mul3A_15, %mul3A_17 : vector<2048x128xf32>
    %sub3A_18 = arith.constant 1.000000e+00 : f32
    %sub3A_19 = vector.broadcast %sub3A_18 : f32 to vector<2048x1xf32>
    %sub3A_20 = arith.subf %sub3A_19, %convert_element_type3A_11 : vector<2048x1xf32>
    %mul3A_21 = vector.broadcast %sub3A_20 : vector<2048x1xf32> to vector<2048x128xf32>
    %mul3A_22 = arith.mulf %convert_element_type3A_2, %mul3A_21 : vector<2048x128xf32>
    %mul3A_23 = vector.broadcast %convert_element_type3A_11 : vector<2048x1xf32> to vector<2048x128xf32>
    %mul3A_24 = arith.mulf %sub3A_4, %mul3A_23 : vector<2048x128xf32>
    %add3A_25 = arith.addf %mul3A_22, %mul3A_24 : vector<2048x128xf32>
    %get3A_26 = arith.constant 0 : index
    %get3A_27 = arith.constant 0 : index
    %get3A_28 = vector.load %arg1[%get3A_26, %get3A_27] : memref<2048x128xf32, #tpu.memory_space<vmem>>, vector<2048x128xf32>
    %mul3A_29 = arith.mulf %get3A_28, %add3A : vector<2048x128xf32>
    %get3A_30 = arith.constant 0 : index
    %get3A_31 = arith.constant 0 : index
    %get3A_32 = vector.load %arg5[%get3A_30, %get3A_31] : memref<128x256xf32, #tpu.memory_space<vmem>>, vector<128x256xf32>
    %dot_general3A = arith.constant dense<0.000000e+00> : vector<2048x256xf32>
    %dot_general3A_33 = tpu.matmul %mul3A_29, %get3A_32, %dot_general3A {dimension_numbers = #tpu.dot_dimension_numbers<[1], [0], [0], [1], [0, 0, 1, 1], [], []>, transpose_lhs_hint = false} : vector<2048x128xf32>, vector<128x256xf32>, vector<2048x256xf32> -> vector<2048x256xf32>
    %get3A_34 = arith.constant 0 : index
    %get3A_35 = arith.constant 0 : index
    %get3A_36 = vector.load %arg2[%get3A_34, %get3A_35] : memref<2048x128xf32, #tpu.memory_space<vmem>>, vector<2048x128xf32>
    %mul3A_37 = arith.mulf %get3A_36, %add3A_25 : vector<2048x128xf32>
    %get3A_38 = arith.constant 0 : index
    %get3A_39 = arith.constant 0 : index
    %get3A_40 = vector.load %arg6[%get3A_38, %get3A_39] : memref<128x256xf32, #tpu.memory_space<vmem>>, vector<128x256xf32>
    %dot_general3A_41 = arith.constant dense<0.000000e+00> : vector<2048x256xf32>
    %dot_general3A_42 = tpu.matmul %mul3A_37, %get3A_40, %dot_general3A_41 {dimension_numbers = #tpu.dot_dimension_numbers<[1], [0], [0], [1], [0, 0, 1, 1], [], []>, transpose_lhs_hint = false} : vector<2048x128xf32>, vector<128x256xf32>, vector<2048x256xf32> -> vector<2048x256xf32>
    %add3A_43 = arith.addf %dot_general3A_33, %dot_general3A_42 : vector<2048x256xf32>
    %get3A_44 = arith.constant 0 : index
    %get3A_45 = arith.constant 0 : index
    %get3A_46 = vector.load %arg7[%get3A_44, %get3A_45] : memref<1x256xf32, #tpu.memory_space<vmem>>, vector<1x256xf32>
    %add3A_47 = vector.broadcast %get3A_46 : vector<1x256xf32> to vector<2048x256xf32>
    %add3A_48 = arith.addf %add3A_43, %add3A_47 : vector<2048x256xf32>
    %max3A = arith.constant 0.000000e+00 : f32
    %max3A_49 = vector.broadcast %max3A : f32 to vector<2048x256xf32>
    %max3A_50 = arith.maximumf %add3A_48, %max3A_49 : vector<2048x256xf32>
    %get3A_51 = arith.constant 0 : index
    %get3A_52 = arith.constant 0 : index
    %get3A_53 = vector.load %arg8[%get3A_51, %get3A_52] : memref<256x1xf32, #tpu.memory_space<vmem>>, vector<256x1xf32>
    %dot_general3A_54 = arith.constant dense<0.000000e+00> : vector<2048x1xf32>
    %dot_general3A_55 = tpu.matmul %max3A_50, %get3A_53, %dot_general3A_54 {dimension_numbers = #tpu.dot_dimension_numbers<[1], [0], [0], [1], [0, 0, 1, 1], [], []>, transpose_lhs_hint = false} : vector<2048x256xf32>, vector<256x1xf32>, vector<2048x1xf32> -> vector<2048x1xf32>
    %get3A_56 = arith.constant 0 : index
    %get3A_57 = arith.constant 0 : index
    %get3A_58 = vector.load %arg9[%get3A_56, %get3A_57] : memref<1x1xf32, #tpu.memory_space<vmem>>, vector<1x1xf32>
    %add3A_59 = vector.broadcast %get3A_58 : vector<1x1xf32> to vector<2048x1xf32>
    %add3A_60 = arith.addf %dot_general3A_55, %add3A_59 : vector<2048x1xf32>
    %swap3A = arith.constant 0 : index
    %swap3A_61 = arith.constant 0 : index
    %swap3A_62 = vector.load %arg10[%swap3A, %swap3A_61] : memref<2048x1xf32, #tpu.memory_space<vmem>>, vector<2048x1xf32>
    tpu.vector_store %arg10[%swap3A, %swap3A_61], %add3A_60 {strides = array<i32>} : memref<2048x1xf32, #tpu.memory_space<vmem>>, vector<2048x1xf32>,
    return
  }
  func.func @transform_0(%arg0: i32) -> (i32, i32) {
    %c0_i32 = arith.constant 0 : i32
    %c0_i32_0 = arith.constant 0 : i32
    return %arg0, %c0_i32 : i32, i32
  }
  func.func @transform_1(%arg0: i32) -> (i32, i32) {
    %c0_i32 = arith.constant 0 : i32
    %c0_i32_0 = arith.constant 0 : i32
    return %arg0, %c0_i32 : i32, i32
  }
  func.func @transform_2(%arg0: i32) -> (i32, i32) {
    %c0_i32 = arith.constant 0 : i32
    %c0_i32_0 = arith.constant 0 : i32
    return %arg0, %c0_i32 : i32, i32
  }
  func.func @transform_3(%arg0: i32) -> (i32, i32) {
    %c0_i32 = arith.constant 0 : i32
    %c0_i32_0 = arith.constant 0 : i32
    return %arg0, %c0_i32 : i32, i32
  }
  func.func @transform_4(%arg0: i32) -> (i32, i32) {
    %c0_i32 = arith.constant 0 : i32
    %c0_i32_0 = arith.constant 0 : i32
    %c0_i32_1 = arith.constant 0 : i32
    return %c0_i32, %c0_i32_0 : i32, i32
  }
  func.func @transform_5(%arg0: i32) -> (i32, i32) {
    %c0_i32 = arith.constant 0 : i32
    %c0_i32_0 = arith.constant 0 : i32
    %c0_i32_1 = arith.constant 0 : i32
    return %c0_i32, %c0_i32_0 : i32, i32
  }
  func.func @transform_6(%arg0: i32) -> (i32, i32) {
    %c0_i32 = arith.constant 0 : i32
    %c0_i32_0 = arith.constant 0 : i32
    %c0_i32_1 = arith.constant 0 : i32
    return %c0_i32, %c0_i32_0 : i32, i32
  }
  func.func @transform_7(%arg0: i32) -> (i32, i32) {
    %c0_i32 = arith.constant 0 : i32
    %c0_i32_0 = arith.constant 0 : i32
    %c0_i32_1 = arith.constant 0 : i32
    return %c0_i32, %c0_i32_0 : i32, i32
  }
  func.func @transform_8(%arg0: i32) -> (i32, i32) {
    %c0_i32 = arith.constant 0 : i32
    %c0_i32_0 = arith.constant 0 : i32
    %c0_i32_1 = arith.constant 0 : i32
    return %c0_i32, %c0_i32_0 : i32, i32
  }
  func.func @transform_9(%arg0: i32) -> (i32, i32) {
    %c0_i32 = arith.constant 0 : i32
    %c0_i32_0 = arith.constant 0 : i32
    return %arg0, %c0_i32 : i32, i32
  }
}

</mosaic_0001>

<sc_bundles>
// kernel: kernel.4.cloned.1.call-start
scs
__scs_entry_jumppad:
0x0: {  	(pc) =	sbr.rel $0x88, $3  }
0x1: {  	(tag) =	ssettag $0x0;
	lr =	simm.s32 $0x1  }
0x2: {  	[smem:$0x3F99] =	sst lr;
	_ =	strace $0xD0000000  }
0x3: {  	_ = 	snop  }
0x4: {  	_ = 	snop  }
0x5: {  	_ = 	snop  }
0x6: {  	_ = 	snop  }
0x7: {  	_ = 	snop  }
__scs_overlays_trampoline_lowered:
0x8: {  	[smem:$0x3FA8] =	sst s0  }
0x9: {  	[smem:$0x3FA9] =	sst s1  }
0xa: {  	[smem:$0x3FAA] =	sst s2  }
0xb: {  	[smem:$0x3FAB] =	sst s3  }
0xc: {  	[smem:$0x3FAC] =	sst s4  }
0xd: {  	[smem:$0x3FAD] =	sst s5  }
0xe: {  	[smem:$0x3FAE] =	sst s6  }
0xf: {  	[smem:$0x3FAF] =	sst s7  }
0x10: {  	[smem:$0x3FB0] =	sst s8  }
0x11: {  	[smem:$0x3FB1] =	sst s9;
	s0 =	simm.s32 @!p0 $0x0  }
0x12: {  	s1 =	sld [smem:$0x3F97];
	s0 =	simm.s32 @p0 $0x1  }
0x13: {  	[smem:$0x3FB2] =	sst s0;
	s0 =	simm.s32 @!p1 $0x0  }
0x14: {  	s2 =	sld [smem:$0x3F96];
	s0 =	simm.s32 @p1 $0x1  }
0x15: {  	[smem:$0x3FB3] =	sst s0;
	s0 =	simm.s32 @!p2 $0x0  }
0x16: {  	s3 =	sld [smem:$0x3FDB];
	s0 =	simm.s32 @p2 $0x1  }
0x17: {  	s4 =	simm.s32 $0x1BF5;
	[smem:$0x3FB5] =	sst s0  }
0x18: {  	s0 =	sld [smem:$0x3F98];
	_ =	swait.ge [sflag:s4], $0x0  }
0x19: {  	s7 =	sld [smem:$0x3F99]  }
0x1a: {  	s8 =	sadd.s32 $0xFFFFE003, lr  }
0x1b: {  	s9 =	sadd.s32 $0xFFFFFEF7, lr;
	s5 =	simm.s32 $0xFFFFFFFF;
	p2 =	slt.u32 s8, $0xFFFFF086  }
0x1c: {  	p1 =	slt.u32 s9, $0xF7A;
	s5 =	simm.s32 @!p2 $0x0  }
0x1d: {  	s5 =	simm.s32 @p1 $0x1;
	p0 =	seq.s32 s7, s2  }
0x1e: {  	s7 =	smul.u32 @!p0 $0xF7A, s2;
	p2 =	seq.s32 @!p0 s5, $0x0  }
0x1f: {  	s9 =	smul.u32 $0xF7A, s1;
	s8 =	simm.s32 @!p0 $0x1BF5;
	p2 =	por !p2, p0  }
0x20: {  	[sflag:s8] =	ssyncset.s32 @!p0 $0xFFFFF086;
	s6 =	sadd.s32 @!p0 s3, s7;
	s7 =	simm.s32 @!p0 $0x108  }
0x21: {  	s3 =	sadd.s32 s3, s9;
	s6 =	sadd.s32 @!p0 $0x88, s6;
	s7 =	simm.s32 @p2 $0x1082  }
0x22: {  	[simem:s7], [sflag:s8] =	dma.local @!p0 [hbm:s6], $0xF7A  }
0x23: {  	s9 =	sor.u32 $0xD0000000, s2;
	s6 =	simm.s32 $0x108;
	_ =	swait.ge @!p0 [sflag:s8], $0x0  }
0x24: {  	s3 =	sadd.s32 $0x88, s3;
	s6 =	simm.s32 @!p1 $0x1082;
	[sflag:s4] =	ssyncset.s32 $0xFFFFF086  }
0x25: {  	[simem:s6], [sflag:s4] =	dma.local [hbm:s3], $0xF7A  }
0x26: {  	[smem:$0x3F99] =	sst s1;
	(tag) =	ssettag s2;
	_ =	strace s9  }
0x27: {  	s1 =	sld [smem:$0x3FA9]  }
0x28: {  	s2 =	sld [smem:$0x3FAA]  }
0x29: {  	s4 =	sld [smem:$0x3FAC]  }
0x2a: {  	p0 =	seq.s32 s5, $0x0;
	s5 =	sld [smem:$0x3FAD]  }
0x2b: {  	s6 =	sld [smem:$0x3FAE]  }
0x2c: {  	s7 =	sld [smem:$0x3FAF]  }
0x2d: {  	s3 =	simm.s32 $0x108;
	s8 =	sld [smem:$0x3FB0]  }
0x2e: {  	s3 =	simm.s32 @!p0 $0x1082;
	s9 =	sld [smem:$0x3FB1]  }
0x2f: {  	lr =	sadd.s32 s0, s3;
	s0 =	sld [smem:$0x3FA8]  }
0x30: {  	s3 =	sld [smem:$0x3FAB]  }
0x31: {  	[smem:$0x3FB4] =	sst s10  }
0x32: {  	s10 =	sld [smem:$0x3FB2];
	_ =	sdelay $0x3  }
0x33: {  	p0 =	seq.s32 s10, $0x1;
	s10 =	sld [smem:$0x3FB4];
	_ =	sdelay $0x3  }
0x34: {  	[smem:$0x3FB4] =	sst s10  }
0x35: {  	s10 =	sld [smem:$0x3FB3];
	_ =	sdelay $0x3  }
0x36: {  	p1 =	seq.s32 s10, $0x1;
	s10 =	sld [smem:$0x3FB4];
	_ =	sdelay $0x3  }
0x37: {  	[smem:$0x3FB4] =	sst s10  }
0x38: {  	s10 =	sld [smem:$0x3FB5]  }
0x39: {  	_ = 	snop;
	(pc) =	sbr.ind lr, $3  }
0x3a: {  	_ = 	snop  }
0x3b: {  	_ = 	snop  }
0x3c: {  	p2 =	seq.s32 s10, $0x1;
	s10 =	sld [smem:$0x3FB4]  }
0x3d: {  	_ =	shalt  }
0x3e: {  	_ =	shalt  }
0x3f: {  	_ =	shalt  }
0x40: {  	_ =	shalt  }
0x41: {  	_ =	shalt  }
0x42: {  	_ =	shalt  }
0x43: {  	_ =	shalt  }
0x44: {  	_ =	shalt  }
0x45: {  	_ =	shalt  }
0x46: {  	_ =	shalt  }
0x47: {  	_ =	shalt  }
0x48: {  	_ =	shalt  }
0x49: {  	_ =	shalt  }
0x4a: {  	_ =	shalt  }
0x4b: {  	_ =	shalt  }
0x4c: {  	_ =	shalt  }
0x4d: {  	_ =	shalt  }
0x4e: {  	_ =	shalt  }
0x4f: {  	_ =	shalt  }
0x50: {  	_ =	shalt  }
0x51: {  	_ =	shalt  }
0x52: {  	_ =	shalt  }
0x53: {  	_ =	shalt  }
0x54: {  	_ =	shalt  }
0x55: {  	_ =	shalt  }
0x56: {  	_ =	shalt  }
0x57: {  	_ =	shalt  }
0x58: {  	_ =	shalt  }
0x59: {  	_ =	shalt  }
0x5a: {  	_ =	shalt  }
0x5b: {  	_ =	shalt  }
0x5c: {  	_ =	shalt  }
0x5d: {  	_ =	shalt  }
0x5e: {  	_ =	shalt  }
0x5f: {  	_ =	shalt  }
0x60: {  	_ =	shalt  }
0x61: {  	_ =	shalt  }
0x62: {  	_ =	shalt  }
0x63: {  	_ =	shalt  }
0x64: {  	_ =	shalt  }
0x65: {  	_ =	shalt  }
0x66: {  	_ =	shalt  }
0x67: {  	_ =	shalt  }
0x68: {  	_ =	shalt  }
0x69: {  	_ =	shalt  }
0x6a: {  	_ =	shalt  }
0x6b: {  	_ =	shalt  }
0x6c: {  	_ =	shalt  }
0x6d: {  	_ =	shalt  }
0x6e: {  	_ =	shalt  }
0x6f: {  	_ =	shalt  }
0x70: {  	_ =	shalt  }
0x71: {  	_ =	shalt  }
0x72: {  	_ =	shalt  }
0x73: {  	_ =	shalt  }
0x74: {  	_ =	shalt  }
0x75: {  	_ =	shalt  }
0x76: {  	_ =	shalt  }
0x77: {  	_ =	shalt  }
0x78: {  	_ =	shalt  }
0x79: {  	_ =	shalt  }
0x7a: {  	_ =	shalt  }
0x7b: {  	_ =	shalt  }
0x7c: {  	_ =	shalt  }
0x7d: {  	_ =	shalt  }
0x7e: {  	_ =	shalt  }
0x7f: {  	_ =	shalt  }
0x80: {  	_ =	shalt  }
0x81: {  	_ =	shalt  }
0x82: {  	_ =	shalt  }
0x83: {  	_ =	shalt  }
0x84: {  	_ =	shalt  }
0x85: {  	_ =	shalt  }
0x86: {  	_ =	shalt  }
0x87: {  	_ =	shalt  }
.Lfunc_end0:
.L_simem_size_0:
called_computation_lowered:
.L_overlay_start_0:
0x88: {  	s2 =	sld [smem:$0x3FD9]  }
0x89: {  	s3 =	sld [smem:$0x3FFE];
	_ =	sdelay $0x1  }
0x8a: {  	s1 =	srdreg.scid  }
0x8b: {  	s0 =	sand.u32 $0x1, s1  }
0x8c: {  	s16 =	sshll.u32 s0, $0xA;
	s2 =	sadd.s32 s3, s2  }
0x8d: {  	s2 =	sadd.s32 s2, s16  }
0x8e: {  	[smem:$0x3FC0] =	sst s2  }
0x8f: {  	_ = 	snop  }
0x90: {  	(tm) =	ssettm $0x1  }
0x91: {  	s17 =	sld [smem:$0x3FFB];
	_ =	sdelay $0x3  }
0x92: {  	_ =	strace s17  }
0x93: {  	s2 =	sld [smem:$0x3FFC];
	_ =	sdelay $0x3  }
0x94: {  	_ =	strace s2  }
0x95: {  	s2 =	sld [smem:$0x3FFD];
	_ =	sdelay $0x3  }
0x96: {  	_ =	strace s2  }
0x97: {  	_ =	strace $0x8FFFFFFF  }
0x98: {  	s18 =	sld [smem:$0x3FDB];
	_ =	sdelay $0x1  }
0x99: {  	s19 =	simm.s32 $_scs_section_size  }
0x9a: {  	s4 =	simm.s32 $_size__tile_overlayer_lowered;
	s5 =	simm.s32 $_tile_overlayer_lowered  }
0x9b: {  	s22 =	simm.s32 $0x1BFF;
	s21 =	sshll.u32 s5, $0x1;
	s2 =	sadd.s32 s19, s18  }
0x9c: {  	s6 =	simm.s32 $0x0;
	s20 =	sshll.u32 s4, $0x1;
	s4 =	sadd.s32 s21, s2  }
0x9d: {  	[timem:s6], [sflag:s22] =	dma.local [hbm:s4], s20  }
0x9e: {  	_ =	swait.ge [sflag:s22], s20  }
0x9f: {  	s3 =	ssub.s32 $0x0, s20;
	[sflag:s22] =	ssyncset.done $0x0  }
0xa0: {  	[sflag:s22] =	ssyncadd.s32 s3;
	_ =	sdelay $0x1  }
0xa1: {  	s23 =	simm.s32 $0x1B8B  }
0xa2: {  	_ =	swait.ge [sflag:s23], $0x1  }
0xa3: {  	[sflag:s23] =	ssyncset.done $0x0  }
0xa4: {  	s25 =	simm.s32 $0x1B8E;
	s24 =	sld [smem:$0x3FFE];
	[sflag:s23] =	ssyncadd.s32 $0xFFFFFFFF  }
0xa5: {  	s26 =	simm.s32 $execute0_lowered;
	[smem:$0x3FD2] =	sst s25  }
0xa6: {  	s4 =	sshll.u32 s26, $0x1;
	_ =	strace $0x80000046;
	[dreg:$0x1] =	wrdreg $0xFFFFFFFF  }
0xa7: {  	s28 =	simm.s32 $_size_execute0_lowered;
	s2 =	sadd.s32 s2, s4;
	[dreg:$0x0] =	wrdreg $0x0  }
0xa8: {  	s4 =	sshll.u32 s28, $0x1;
	[dreg:$0x2] =	wrdreg s2  }
0xa9: {  	[dreg:$0x3] =	wrdreg s4  }
0xaa: {  	[dreg:$0x4] =	wrdreg $0xC0  }
0xab: {  	_ =	task [dreg:s6], $0x5FFFF  }
0xac: {  	[dreg:$0x1] =	wrdreg $0xFFFFFFFF  }
0xad: {  	[dreg:$0x0] =	wrdreg $0x60  }
0xae: {  	[dreg:$0x2] =	wrdreg s24  }
0xaf: {  	[dreg:$0x3] =	wrdreg $0x9  }
0xb0: {  	_ =	task.clear_ibuf [dreg:s6], $0x4FFFF;
	_ =	strace $0x90000046  }
0xb1: {  	s29 =	simm.s32 $0x9;
	_ =	strace $0x80000048  }
0xb2: {  	_ =	swait.ge [sflag:s29], $0x1  }
0xb3: {  	[sflag:s29] =	ssyncadd.s32 $0xFFFFFFFF  }
0xb4: {  	_ =	strace $0x90000048  }
0xb5: {  	_ =	sfence  }
0xb6: {  	s30 =	sld [smem:$0x0];
	_ =	sdelay $0x2  }
0xb7: {  	s31 =	sshll.u32 s1, $0xD;
	s1 =	sshrl.u32 s1, $0x2  }
0xb8: {  	s3 =	sand.u32 $0x4000, s31;
	s1 =	sadd.s32 s1, s30  }
0xb9: {  	s0 =	sor.u32 s3, s0;
	s1 =	sshll.u32 s1, $0x11  }
0xba: {  	s0 =	sor.u32 s1, s0  }
0xbb: {  	s0 =	sadd.s32 $0x8F2B, s0  }
0xbc: {  	[sflag:s0] =	ssyncadd.remote.s32 $0x1  }
0xbd: {  	_ =	sfence.sel $0xFFFF  }
0xbe: {  	[dreg:$0x0] =	wrdreg $0xFFFFFFFF;
	(pc) =	sbr.abs _section_cstart, $3  }
0xbf: {  	[dreg:$0x1] =	wrdreg $0xFFFFFFFF  }
0xc0: {  	_ =	task.clear_ibuf [dreg:s6], $0x2FFFF;
	_ =	strace $0x9FFFFFFF  }
0xc1: {  	(tm) =	ssettm $0x7FFFFFFF  }
tec
execute0_lowered:
.L_overlay_start_1:
0x0: {  	(tag) =	ssettag $0x1  }
0x1: {  	s1 =	srdreg.scid  }
0x2: {  	s0 =	stileid.u32;
	s28 =	sand.u32 $0x1, s1  }
0x3: {  	s26 =	rddreg [dreg:$0x0];
	s3 =	sshll.u32 s0, $0xA;
	s4 =	sshll.u32 s28, $0x9  }
0x4: {  	s2 =	simm.s32 $0x0;
	s1 =	rddreg [dreg:$0x1];
	s25 =	sor.u32 s4, s3  }
0x5: {  	[smem:$0x7FF] =	sst s2;
	s15 =	sadd.s32 $0x2E00, s26;
	s16 =	sshrl.u32 s25, $0x3  }
0x6: {  	_ =	strace $0x80000047;
	s3 =	simm.s32 $0x2;
	s4 =	sadd.s32 s15, s16  }
0x7: {  	[tilespmem:s2], [sflag:$0x2] =	stream.linear.gather [hbm4b:s4+s2], $0x80, $0x38;
	[tilespmem:$0x10400] =	vst v63  }
0x8: {  	_ =	swait.ge [sflag:s3], $0x80  }
0x9: {  	s17 =	sadd.s32 $0x2600, s26;
	[sflag:s3] =	ssyncset.done $0x0  }
0xa: {  	s6 =	simm.s32 $0x200;
	s5 =	sadd.s32 s17, s16;
	[sflag:s3] =	ssyncadd.s32 $0xFFFFFF80  }
0xb: {  	[tilespmem:s6], [sflag:$0x2] =	stream.linear.gather [hbm4b:s5+s2], $0x80, $0x38;
	[tilespmem:$0x10400] =	vst v63  }
0xc: {  	_ =	swait.ge [sflag:s3], $0x80  }
0xd: {  	s9 =	sor.u32 $0x10, s16;
	[sflag:s3] =	ssyncset.done $0x0  }
0xe: {  	s8 =	simm.s32 $0x80;
	s7 =	sadd.s32 s15, s9;
	[sflag:s3] =	ssyncadd.s32 $0xFFFFFF80  }
0xf: {  	[tilespmem:s8], [sflag:$0x2] =	stream.linear.gather [hbm4b:s7+s2], $0x80, $0x38;
	[tilespmem:$0x10400] =	vst v63  }
0x10: {  	_ =	swait.ge [sflag:s3], $0x80  }
0x11: {  	[sflag:s3] =	ssyncset.done $0x0  }
0x12: {  	s10 =	simm.s32 $0x280;
	s9 =	sadd.s32 s17, s9;
	[sflag:s3] =	ssyncadd.s32 $0xFFFFFF80  }
0x13: {  	[tilespmem:s10], [sflag:$0x2] =	stream.linear.gather [hbm4b:s9+s2], $0x80, $0x38;
	[tilespmem:$0x10400] =	vst v63  }
0x14: {  	_ =	swait.ge [sflag:s3], $0x80  }
0x15: {  	s13 =	sor.u32 $0x20, s16;
	[sflag:s3] =	ssyncset.done $0x0  }
0x16: {  	s12 =	simm.s32 $0x100;
	s11 =	sadd.s32 s15, s13;
	[sflag:s3] =	ssyncadd.s32 $0xFFFFFF80  }
0x17: {  	[tilespmem:s12], [sflag:$0x2] =	stream.linear.gather [hbm4b:s11+s2], $0x80, $0x38;
	[tilespmem:$0x10400] =	vst v63  }
0x18: {  	_ =	swait.ge [sflag:s3], $0x80  }
0x19: {  	[sflag:s3] =	ssyncset.done $0x0  }
0x1a: {  	s14 =	simm.s32 $0x300;
	s13 =	sadd.s32 s17, s13;
	[sflag:s3] =	ssyncadd.s32 $0xFFFFFF80  }
0x1b: {  	[tilespmem:s14], [sflag:$0x2] =	stream.linear.gather [hbm4b:s13+s2], $0x80, $0x38;
	[tilespmem:$0x10400] =	vst v63  }
0x1c: {  	_ =	swait.ge [sflag:s3], $0x80  }
0x1d: {  	s18 =	sor.u32 $0x30, s16;
	[sflag:s3] =	ssyncset.done $0x0  }
0x1e: {  	s16 =	simm.s32 $0x180;
	s15 =	sadd.s32 s15, s18;
	[sflag:s3] =	ssyncadd.s32 $0xFFFFFF80  }
0x1f: {  	[tilespmem:s16], [sflag:$0x2] =	stream.linear.gather [hbm4b:s15+s2], $0x80, $0x38;
	[tilespmem:$0x10400] =	vst v63  }
0x20: {  	_ =	swait.ge [sflag:s3], $0x80  }
0x21: {  	[sflag:s3] =	ssyncset.done $0x0  }
0x22: {  	s17 =	sadd.s32 s17, s18;
	s18 =	simm.s32 $0x380;
	[sflag:s3] =	ssyncadd.s32 $0xFFFFFF80  }
0x23: {  	[tilespmem:s18], [sflag:$0x2] =	stream.linear.gather [hbm4b:s17+s2], $0x80, $0x38;
	[tilespmem:$0x10400] =	vst v63  }
0x24: {  	_ =	swait.ge [sflag:s3], $0x80  }
0x25: {  	[sflag:s3] =	ssyncset.done $0x0  }
0x26: {  	s20 =	simm.s32 $0x400;
	s19 =	sadd.s32 $0xF44200, s26;
	[sflag:s3] =	ssyncadd.s32 $0xFFFFFF80  }
0x27: {  	[tilespmem:s20], [sflag:$0x1] =	stream.indirect.gather [hbm4b:s19+s8], $0x80, s2, s8, $0xb8;
	[tilespmem:$0x10400] =	vst v63  }
0x28: {  	s21 =	simm.s32 $0x4400  }
0x29: {  	[tilespmem:s21], [sflag:$0x1] =	stream.indirect.gather [hbm4b:s19+s8], $0x80, s8, s8, $0xb8;
	[tilespmem:$0x10400] =	vst v63  }
0x2a: {  	s22 =	simm.s32 $0x8400  }
0x2b: {  	[tilespmem:s22], [sflag:$0x1] =	stream.indirect.gather [hbm4b:s19+s8], $0x80, s12, s8, $0xb8;
	[tilespmem:$0x10400] =	vst v63  }
0x2c: {  	s23 =	simm.s32 $0xC400;
	s24 =	simm.s32 $0x1  }
0x2d: {  	[tilespmem:s23], [sflag:$0x1] =	stream.indirect.gather [hbm4b:s19+s8], $0x80, s16, s8, $0xb8;
	[tilespmem:$0x10400] =	vst v63  }
0x2e: {  	_ =	swait.ge [sflag:s24], $0x4000  }
0x2f: {  	[sflag:s24] =	ssyncset.done $0x0  }
0x30: {  	[sflag:s24] =	ssyncadd.s32 $0xFFFFC000  }
0x31: {  	_ =	swait.ge [sflag:s24], $0x4000  }
0x32: {  	[sflag:s24] =	ssyncset.done $0x0  }
0x33: {  	[sflag:s24] =	ssyncadd.s32 $0xFFFFC000  }
0x34: {  	_ =	swait.ge [sflag:s24], $0x4000  }
0x35: {  	[sflag:s24] =	ssyncset.done $0x0  }
0x36: {  	[sflag:s24] =	ssyncadd.s32 $0xFFFFC000  }
0x37: {  	s25 =	sshll.u32 s25, $0x4;
	_ =	swait.ge [sflag:s24], $0x4000  }
0x38: {  	s29 =	sadd.s32 s25, s26;
	[sflag:s24] =	ssyncset.done $0x0  }
0x39: {  	s25 =	sadd.s32 $0x3600, s29;
	[sflag:s24] =	ssyncadd.s32 $0xFFFFC000  }
0x3a: {  	[hbm4b:s25+s2] =	stream.linear.scatter [tilespmem:s20], [sflag:$0x2], $0x10000, $0x38;
	[tilespmem:$0x10400] =	vst v63  }
0x3b: {  	_ =	swait.ge [sflag:s3], $0x10000  }
0x3c: {  	[sflag:s3] =	ssyncset.done $0x0  }
0x3d: {  	s26 =	sadd.s32 $0x16E5400, s26;
	[sflag:s3] =	ssyncadd.s32 $0xFFFF0000  }
0x3e: {  	[tilespmem:s20], [sflag:$0x1] =	stream.indirect.gather [hbm4b:s26+s8], $0x80, s6, s8, $0xb8;
	[tilespmem:$0x10400] =	vst v63  }
0x3f: {  	_ = 	snop  }
0x40: {  	[tilespmem:s21], [sflag:$0x1] =	stream.indirect.gather [hbm4b:s26+s8], $0x80, s10, s8, $0xb8;
	[tilespmem:$0x10400] =	vst v63  }
0x41: {  	_ = 	snop  }
0x42: {  	[tilespmem:s22], [sflag:$0x1] =	stream.indirect.gather [hbm4b:s26+s8], $0x80, s14, s8, $0xb8;
	[tilespmem:$0x10400] =	vst v63  }
0x43: {  	_ = 	snop  }
0x44: {  	[tilespmem:s23], [sflag:$0x1] =	stream.indirect.gather [hbm4b:s26+s8], $0x80, s18, s8, $0xb8;
	[tilespmem:$0x10400] =	vst v63  }
0x45: {  	_ =	swait.ge [sflag:s24], $0x4000  }
0x46: {  	[sflag:s24] =	ssyncset.done $0x0  }
0x47: {  	[sflag:s24] =	ssyncadd.s32 $0xFFFFC000  }
0x48: {  	_ =	swait.ge [sflag:s24], $0x4000  }
0x49: {  	[sflag:s24] =	ssyncset.done $0x0  }
0x4a: {  	s28 =	ssub.s32 $0x2, s28;
	[sflag:s24] =	ssyncadd.s32 $0xFFFFC000  }
0x4b: {  	s30 =	sshrl.u32 s28, $0x1;
	_ =	swait.ge [sflag:s24], $0x4000  }
0x4c: {  	s30 =	ssub.s32 s28, s30;
	[sflag:s24] =	ssyncset.done $0x0  }
0x4d: {  	s28 =	sadd.s32 $0x43600, s29;
	s29 =	smax.u32 s30, $0x1;
	[sflag:s24] =	ssyncadd.s32 $0xFFFFC000  }
0x4e: {  	p0 =	sne.s32 s29, $0x1;
	_ =	swait.ge [sflag:s24], $0x4000  }
.Ltmp0:
0x4f: {  	[sflag:s24] =	ssyncset.done $0x0;
	(pc) =	sbr.rel @!p0 .LBB2_2-.Ltmp0, $4  }
0x50: {  	[sflag:s24] =	ssyncadd.s32 $0xFFFFC000  }
0x51: {  	[hbm4b:s28+s2] =	stream.linear.scatter [tilespmem:s20], [sflag:$0x2], $0x10000, $0x38;
	[tilespmem:$0x10400] =	vst v63  }
0x52: {  	_ =	swait.ge [sflag:s3], $0x10000  }
0x53: {  	s29 =	sadd.s32 $0xFFFFFFFF, s29;
	[sflag:s3] =	ssyncset.done $0x0  }
.LBB2_1:
0x54: {  	p0 =	sne.s32 s29, $0x1;
	s29 =	sadd.s32 $0xFFFFFFFF, s29;
	[sflag:s3] =	ssyncadd.s32 $0xFFFF0000  }
0x55: {  	[tilespmem:s2], [sflag:$0x2] =	stream.linear.gather [hbm4b:s4+s2], $0x80, $0x38;
	[tilespmem:$0x10400] =	vst v63  }
0x56: {  	_ =	swait.ge [sflag:s3], $0x80  }
0x57: {  	[sflag:s3] =	ssyncset.done $0x0  }
0x58: {  	[sflag:s3] =	ssyncadd.s32 $0xFFFFFF80  }
0x59: {  	[tilespmem:s6], [sflag:$0x2] =	stream.linear.gather [hbm4b:s5+s2], $0x80, $0x38;
	[tilespmem:$0x10400] =	vst v63  }
0x5a: {  	_ =	swait.ge [sflag:s3], $0x80  }
0x5b: {  	[sflag:s3] =	ssyncset.done $0x0  }
0x5c: {  	[sflag:s3] =	ssyncadd.s32 $0xFFFFFF80  }
0x5d: {  	[tilespmem:s8], [sflag:$0x2] =	stream.linear.gather [hbm4b:s7+s2], $0x80, $0x38;
	[tilespmem:$0x10400] =	vst v63  }
0x5e: {  	_ =	swait.ge [sflag:s3], $0x80  }
0x5f: {  	[sflag:s3] =	ssyncset.done $0x0  }
0x60: {  	[sflag:s3] =	ssyncadd.s32 $0xFFFFFF80  }
0x61: {  	[tilespmem:s10], [sflag:$0x2] =	stream.linear.gather [hbm4b:s9+s2], $0x80, $0x38;
	[tilespmem:$0x10400] =	vst v63  }
0x62: {  	_ =	swait.ge [sflag:s3], $0x80  }
0x63: {  	[sflag:s3] =	ssyncset.done $0x0  }
0x64: {  	[sflag:s3] =	ssyncadd.s32 $0xFFFFFF80  }
0x65: {  	[tilespmem:s12], [sflag:$0x2] =	stream.linear.gather [hbm4b:s11+s2], $0x80, $0x38;
	[tilespmem:$0x10400] =	vst v63  }
0x66: {  	_ =	swait.ge [sflag:s3], $0x80  }
0x67: {  	[sflag:s3] =	ssyncset.done $0x0  }
0x68: {  	[sflag:s3] =	ssyncadd.s32 $0xFFFFFF80  }
0x69: {  	[tilespmem:s14], [sflag:$0x2] =	stream.linear.gather [hbm4b:s13+s2], $0x80, $0x38;
	[tilespmem:$0x10400] =	vst v63  }
0x6a: {  	_ =	swait.ge [sflag:s3], $0x80  }
0x6b: {  	[sflag:s3] =	ssyncset.done $0x0  }
0x6c: {  	[sflag:s3] =	ssyncadd.s32 $0xFFFFFF80  }
0x6d: {  	[tilespmem:s16], [sflag:$0x2] =	stream.linear.gather [hbm4b:s15+s2], $0x80, $0x38;
	[tilespmem:$0x10400] =	vst v63  }
0x6e: {  	_ =	swait.ge [sflag:s3], $0x80  }
0x6f: {  	[sflag:s3] =	ssyncset.done $0x0  }
0x70: {  	[sflag:s3] =	ssyncadd.s32 $0xFFFFFF80  }
0x71: {  	[tilespmem:s18], [sflag:$0x2] =	stream.linear.gather [hbm4b:s17+s2], $0x80, $0x38;
	[tilespmem:$0x10400] =	vst v63  }
0x72: {  	_ =	swait.ge [sflag:s3], $0x80  }
0x73: {  	[sflag:s3] =	ssyncset.done $0x0  }
0x74: {  	[sflag:s3] =	ssyncadd.s32 $0xFFFFFF80  }
0x75: {  	[tilespmem:s20], [sflag:$0x1] =	stream.indirect.gather [hbm4b:s19+s8], $0x80, s2, s8, $0xb8;
	[tilespmem:$0x10400] =	vst v63  }
0x76: {  	_ = 	snop  }
0x77: {  	[tilespmem:s21], [sflag:$0x1] =	stream.indirect.gather [hbm4b:s19+s8], $0x80, s8, s8, $0xb8;
	[tilespmem:$0x10400] =	vst v63  }
0x78: {  	_ = 	snop  }
0x79: {  	[tilespmem:s22], [sflag:$0x1] =	stream.indirect.gather [hbm4b:s19+s8], $0x80, s12, s8, $0xb8;
	[tilespmem:$0x10400] =	vst v63  }
0x7a: {  	_ = 	snop  }
0x7b: {  	[tilespmem:s23], [sflag:$0x1] =	stream.indirect.gather [hbm4b:s19+s8], $0x80, s16, s8, $0xb8;
	[tilespmem:$0x10400] =	vst v63  }
0x7c: {  	_ =	swait.ge [sflag:s24], $0x4000  }
0x7d: {  	[sflag:s24] =	ssyncset.done $0x0  }
0x7e: {  	[sflag:s24] =	ssyncadd.s32 $0xFFFFC000  }
0x7f: {  	_ =	swait.ge [sflag:s24], $0x4000  }
0x80: {  	[sflag:s24] =	ssyncset.done $0x0  }
0x81: {  	[sflag:s24] =	ssyncadd.s32 $0xFFFFC000  }
0x82: {  	_ =	swait.ge [sflag:s24], $0x4000  }
0x83: {  	[sflag:s24] =	ssyncset.done $0x0  }
0x84: {  	[sflag:s24] =	ssyncadd.s32 $0xFFFFC000  }
0x85: {  	_ =	swait.ge [sflag:s24], $0x4000  }
0x86: {  	[sflag:s24] =	ssyncset.done $0x0  }
0x87: {  	[sflag:s24] =	ssyncadd.s32 $0xFFFFC000  }
0x88: {  	[hbm4b:s25+s2] =	stream.linear.scatter [tilespmem:s20], [sflag:$0x2], $0x10000, $0x38;
	[tilespmem:$0x10400] =	vst v63  }
0x89: {  	_ =	swait.ge [sflag:s3], $0x10000  }
0x8a: {  	[sflag:s3] =	ssyncset.done $0x0  }
0x8b: {  	[sflag:s3] =	ssyncadd.s32 $0xFFFF0000  }
0x8c: {  	[tilespmem:s20], [sflag:$0x1] =	stream.indirect.gather [hbm4b:s26+s8], $0x80, s6, s8, $0xb8;
	[tilespmem:$0x10400] =	vst v63  }
0x8d: {  	_ = 	snop  }
0x8e: {  	[tilespmem:s21], [sflag:$0x1] =	stream.indirect.gather [hbm4b:s26+s8], $0x80, s10, s8, $0xb8;
	[tilespmem:$0x10400] =	vst v63  }
0x8f: {  	_ = 	snop  }
0x90: {  	[tilespmem:s22], [sflag:$0x1] =	stream.indirect.gather [hbm4b:s26+s8], $0x80, s14, s8, $0xb8;
	[tilespmem:$0x10400] =	vst v63  }
0x91: {  	_ = 	snop  }
0x92: {  	[tilespmem:s23], [sflag:$0x1] =	stream.indirect.gather [hbm4b:s26+s8], $0x80, s18, s8, $0xb8;
	[tilespmem:$0x10400] =	vst v63  }
0x93: {  	_ =	swait.ge [sflag:s24], $0x4000  }
0x94: {  	[sflag:s24] =	ssyncset.done $0x0  }
0x95: {  	[sflag:s24] =	ssyncadd.s32 $0xFFFFC000  }
0x96: {  	_ =	swait.ge [sflag:s24], $0x4000  }
0x97: {  	[sflag:s24] =	ssyncset.done $0x0  }
0x98: {  	[sflag:s24] =	ssyncadd.s32 $0xFFFFC000  }
0x99: {  	_ =	swait.ge [sflag:s24], $0x4000  }
0x9a: {  	[sflag:s24] =	ssyncset.done $0x0  }
0x9b: {  	[sflag:s24] =	ssyncadd.s32 $0xFFFFC000  }
0x9c: {  	_ =	swait.ge [sflag:s24], $0x4000  }
.Ltmp1:
0x9d: {  	[sflag:s24] =	ssyncset.done $0x0;
	(pc) =	sbr.rel @p0 .LBB2_1-.Ltmp1, $4  }
0x9e: {  	[sflag:s24] =	ssyncadd.s32 $0xFFFFC000  }
0x9f: {  	[hbm4b:s28+s2] =	stream.linear.scatter [tilespmem:s20], [sflag:$0x2], $0x10000, $0x38;
	[tilespmem:$0x10400] =	vst v63  }
0xa0: {  	_ =	swait.ge [sflag:s3], $0x10000  }
0xa1: {  	[sflag:s3] =	ssyncset.done $0x0  }
.LBB2_2:
0xa2: {  	[sflag:s3] =	ssyncadd.s32 $0xFFFF0000  }
0xa3: {  	_ =	sfence.sel $0x180000  }
0xa4: {  	[bflag:$0x0] =	sbarrier.arrive $0xFFFF  }
0xa5: {  	p0 =	sne.s32 s0, $0x0;
	_ =	strace $0x90000047  }
0xa6: {  	s0 =	sadd.s32 @!p0 $0x100000, s1;
	[bflag:$0x2] =	sbarrier.arrive $0xFFFF  }
0xa7: {  	[sflag:s0] =	ssyncadd.tile.s32 @!p0 $0x1;
	_ =	shalt  }
.Lfunc_end2:
_tile_overlayer_lowered:
.L_overlay_start_2:
0xa8: {  	(tag) =	ssettag $0x2  }
0xa9: {  	s0 =	rddreg [dreg:$0x0];
	s2 =	stileid.u32  }
0xaa: {  	s1 =	rddreg [dreg:$0x1];
	p0 =	sne.s32 s2, $0x0  }
0xab: {  	s3 =	rddreg [dreg:$0x2];
	[bflag:$0x3] =	sbarrier.arrive $0xFFFF;
	s2 =	simm.s32 @!p0 $0x1C02  }
0xac: {  	[timem:s3], [sflag:s2] =	dma.local @!p0 [hbm:s0], s1  }
0xad: {  	s0 =	simm.s32 @!p0 $0x2  }
0xae: {  	_ =	swait.ge @!p0 [sflag:s0], s1  }
0xaf: {  	s1 =	ssub.s32 @!p0 $0x0, s1;
	[sflag:s0] =	ssyncset.done @!p0 $0x0  }
0xb0: {  	[sflag:s0] =	ssyncadd.s32 @!p0 s1  }
0xb1: {  	[bflag:$0x3] =	sbarrier.arrive $0xFFFF  }
0xb2: {  	_ =	shalt  }

</sc_bundles>
